<compile_context>
chip_gen: v7x
topology: tpu7x:2x2x1
jax: 0.10.2.dev20260603
libtpu: 0.0.44.dev20260713+nightly
codegen_flags: <defaults>
</compile_context>

<pallas_src>
import functools

import jax
import jax.numpy as jnp
from jax import lax
from jax.experimental import pallas as pl
from jax.experimental.pallas import tpu as pltpu
from jax.experimental.pallas import tpu_sc as plsc

N = 8192
T = 4096
K = 512
NCHUNK = T // K
RA = 128

NWORK = 32
RPW = T // NWORK
NBUF = 4



def _matvec_body(j_ref, m0_ref, h_ref, out_ref):
    prod = j_ref[...] * m0_ref[...]
    out_ref[...] = jnp.sum(prod, axis=1, keepdims=True) + h_ref[...]


def _matvec(J, m0, h):
    return pl.pallas_call(
        _matvec_body,
        grid=(N // RA,),
        in_specs=[
            pl.BlockSpec((RA, N), lambda b: (b, 0)),
            pl.BlockSpec((1, N), lambda b: (0, 0)),
            pl.BlockSpec((RA, 1), lambda b: (b, 0)),
        ],
        out_specs=pl.BlockSpec((RA, 1), lambda b: (b, 0)),
        out_shape=jax.ShapeDtypeStruct((N, 1), jnp.float32),
    )(J, m0.reshape(1, N), h.reshape(N, 1))



def _sc_extract_body(j_hbm, idx_hbm, m0_hbm, s_hbm, m0g_hbm,
                     idx_all_v, m0_v, rb0, rb1, rb2, rb3,
                     st0, st1, st2, st3, gstage_v, idx_my_s,
                     d0, d1, d2, d3, w0, w1, w2, w3):
    wid = lax.axis_index("s") * 2 + lax.axis_index("c")
    row0 = wid * RPW
    rbufs = (rb0, rb1, rb2, rb3)
    stages = (st0, st1, st2, st3)
    dsems = (d0, d1, d2, d3)
    wsems = (w0, w1, w2, w3)

    pltpu.sync_copy(idx_hbm, idx_all_v)
    pltpu.sync_copy(m0_hbm, m0_v)

    def smem_fill(k, carry):
        vec = idx_all_v[pl.ds(row0 + k * 16, 16)]
        for l in range(16):
            idx_my_s[k * 16 + l] = vec[l]
        return carry
    lax.fori_loop(0, RPW // 16, smem_fill, 0)

    def m0g_body(k, carry):
        idxs = idx_all_v[pl.ds(row0 + k * 16, 16)]
        gstage_v[pl.ds(k * 16, 16)] = plsc.load_gather(m0_v, [idxs])
        return carry
    lax.fori_loop(0, RPW // 16, m0g_body, 0)
    pltpu.sync_copy(gstage_v, m0g_hbm.at[pl.ds(row0, RPW)])

    def fire(r, buf, sem):
        i = idx_my_s[r]
        pltpu.async_copy(j_hbm.at[i], buf, sem)

    def wait_row(buf, sem):
        pltpu.make_async_copy(j_hbm.at[0], buf, sem).wait()

    def extract(buf, stage):
        def col_body(k, carry):
            idxs = idx_all_v[pl.ds(k * 16, 16)]
            stage[pl.ds(k * 16, 16)] = plsc.load_gather(buf, [idxs])
            return carry
        lax.fori_loop(0, T // 16, col_body, 0, unroll=8)

    for q in range(NBUF):
        fire(q, rbufs[q], dsems[q])

    def group_body(j, carry):
        for q in range(NBUF):
            r = NBUF * j + q
            wait_row(rbufs[q], dsems[q])

            @pl.when(j > 0)
            def _():
                pltpu.make_async_copy(stages[q], s_hbm.at[0],
                                      wsems[q]).wait()
            extract(rbufs[q], stages[q])
            pltpu.async_copy(stages[q], s_hbm.at[row0 + r], wsems[q])
            rn = jnp.minimum(NBUF * j + q + NBUF, RPW - 1)
            fire(rn, rbufs[q], dsems[q])
        return carry

    lax.fori_loop(0, RPW // NBUF, group_body, 0)
    for q in range(NBUF):
        wait_row(rbufs[q], dsems[q])
        pltpu.make_async_copy(stages[q], s_hbm.at[0], wsems[q]).wait()


def _sc_extract(J, i_seq, m0):
    mesh = plsc.VectorSubcoreMesh(core_axis_name="c", subcore_axis_name="s")
    f = pl.kernel(
        _sc_extract_body,
        out_type=(
            jax.ShapeDtypeStruct((T, T), jnp.float32),
            jax.ShapeDtypeStruct((T,), jnp.float32),
        ),
        mesh=mesh,
        compiler_params=pltpu.CompilerParams(needs_layout_passes=False),
        scratch_types=[
            pltpu.VMEM((T,), jnp.int32),
            pltpu.VMEM((N,), jnp.float32),
            pltpu.VMEM((N,), jnp.float32),
            pltpu.VMEM((N,), jnp.float32),
            pltpu.VMEM((N,), jnp.float32),
            pltpu.VMEM((N,), jnp.float32),
            pltpu.VMEM((T,), jnp.float32),
            pltpu.VMEM((T,), jnp.float32),
            pltpu.VMEM((T,), jnp.float32),
            pltpu.VMEM((T,), jnp.float32),
            pltpu.VMEM((RPW,), jnp.float32),
            pltpu.SMEM((RPW,), jnp.int32),
            pltpu.SemaphoreType.DMA,
            pltpu.SemaphoreType.DMA,
            pltpu.SemaphoreType.DMA,
            pltpu.SemaphoreType.DMA,
            pltpu.SemaphoreType.DMA,
            pltpu.SemaphoreType.DMA,
            pltpu.SemaphoreType.DMA,
            pltpu.SemaphoreType.DMA,
        ],
    )
    return f(J, i_seq, m0)



def _chunk_body(i_sp, rt_sp, prev_sp, m0g_sp, i0_sp,
                srow_ref, sdiag_ref, vals_ref, field_ref):
    c = pl.program_id(0)

    @pl.when(c == 0)
    def _():
        field_ref[...] = jnp.zeros((NCHUNK, K), jnp.float32)

    lanesK = lax.broadcasted_iota(jnp.int32, (1, K), 1)
    corr0 = field_ref[c, :].reshape(1, K)

    E0 = jnp.sum(jnp.where(lanesK == 0, corr0, 0.0))
    pt0 = prev_sp[c * K]
    ptc0 = jnp.maximum(pt0, 0)
    row0 = vals_ref[ptc0 // K, :].reshape(1, K)
    cand0 = jnp.sum(jnp.where(lanesK == ptc0 % K, row0, 0.0))
    MP0 = jnp.where(pt0 >= 0, cand0, m0g_sp[c * K])

    def step(tl, carry):
        deltas, vals, corr, E, MP = carry
        tg = c * K + tl
        I = i0_sp[i_sp[tg]] + E
        v = jnp.where(I >= rt_sp[tg], jnp.float32(1.0), jnp.float32(-1.0))
        d = v - MP
        srow = sdiag_ref[tl, :].reshape(1, K)

        tgn = jnp.minimum(tg + 1, T - 1)
        onext = lanesK == (tl + 1)
        Epre = jnp.sum(jnp.where(onext, corr, 0.0))
        Ssc = jnp.sum(jnp.where(onext, srow, 0.0))
        E_next = Epre + Ssc * d
        pt1 = prev_sp[tgn]
        ptc1 = jnp.maximum(pt1, 0)
        rowv = vals_ref[ptc1 // K, :].reshape(1, K)
        selrow = jnp.where(pt1 >= c * K, vals, rowv)
        cand = jnp.sum(jnp.where(lanesK == ptc1 % K, selrow, 0.0))
        MP_next = jnp.where(pt1 == tg, v, cand)
        MP_next = jnp.where(pt1 >= 0, MP_next, m0g_sp[tgn])

        corr = corr + srow * d
        onehot = lanesK == tl
        deltas = jnp.where(onehot, d, deltas)
        vals = jnp.where(onehot, v, vals)
        return deltas, vals, corr, E_next, MP_next

    z = jnp.zeros((1, K), jnp.float32)
    deltas, vals, _, _, _ = lax.fori_loop(0, K, step, (z, z, corr0, E0, MP0),
                                          unroll=2)
    vals_ref[c, :] = vals.reshape(K)

    upd = jnp.dot(deltas, srow_ref[...], precision=lax.Precision.HIGHEST,
                  preferred_element_type=jnp.float32)
    field_ref[...] = field_ref[...] + upd.reshape(NCHUNK, K)


def _chunk_scan(i_seq, rt_seq, prev, m0g, I0, S):
    grid_spec = pltpu.PrefetchScalarGridSpec(
        num_scalar_prefetch=5,
        grid=(NCHUNK,),
        in_specs=[
            pl.BlockSpec((K, T), lambda c, *sp: (c, 0)),
            pl.BlockSpec((K, K), lambda c, *sp: (c, c)),
        ],
        out_specs=pl.BlockSpec((NCHUNK, K), lambda c, *sp: (0, 0)),
        scratch_shapes=[
            pltpu.VMEM((NCHUNK, K), jnp.float32),
        ],
    )
    return pl.pallas_call(
        _chunk_body,
        grid_spec=grid_spec,
        out_shape=jax.ShapeDtypeStruct((NCHUNK, K), jnp.float32),
    )(i_seq, rt_seq, prev, m0g, I0, S, S)



def _sc_scatter_body(m0_hbm, idx_hbm, vals_hbm, keep_hbm, m_hbm,
                     m_v, idx_v, vals_v, keep_v, sem):
    wid = lax.axis_index("s") * 2 + lax.axis_index("c")

    @pl.when(wid == 0)
    def _():
        pltpu.sync_copy(m0_hbm, m_v)
        pltpu.sync_copy(idx_hbm, idx_v)
        pltpu.sync_copy(vals_hbm, vals_v)
        pltpu.sync_copy(keep_hbm, keep_v)

        def body(k, carry):
            sl = pl.ds(k * 16, 16)
            mask = keep_v[sl] != 0
            plsc.store_scatter(m_v, [idx_v[sl]], vals_v[sl], mask=mask)
            return carry
        lax.fori_loop(0, T // 16, body, 0)
        pltpu.sync_copy(m_v, m_hbm)


def _sc_scatter(m0, i_seq, vals, keep):
    mesh = plsc.VectorSubcoreMesh(core_axis_name="c", subcore_axis_name="s")
    f = pl.kernel(
        _sc_scatter_body,
        out_type=jax.ShapeDtypeStruct((N,), jnp.float32),
        mesh=mesh,
        compiler_params=pltpu.CompilerParams(needs_layout_passes=False),
        scratch_types=[
            pltpu.VMEM((N,), jnp.float32),
            pltpu.VMEM((T,), jnp.int32),
            pltpu.VMEM((T,), jnp.float32),
            pltpu.VMEM((T,), jnp.int32),
            pltpu.SemaphoreType.DMA,
        ],
    )
    return f(m0, i_seq, vals, keep)


def kernel(J, h, m0, i_seq, r_seq, steps):
    del steps
    I0 = _matvec(J, m0, h).reshape(N)
    S, m0g = _sc_extract(J, i_seq, m0)

    order = jnp.argsort(i_seq, stable=True)
    io = i_seq[order]
    same_as_prev = jnp.concatenate(
        [jnp.zeros((1,), jnp.bool_), io[1:] == io[:-1]])
    prev_o = jnp.where(same_as_prev,
                       jnp.concatenate([jnp.full((1,), -1, order.dtype),
                                        order[:-1]]),
                       -1).astype(jnp.int32)
    prev = jnp.zeros((T,), jnp.int32).at[order].set(prev_o)
    last_o = jnp.concatenate([io[1:] != io[:-1], jnp.ones((1,), jnp.bool_)])
    keep = jnp.zeros((T,), jnp.int32).at[order].set(last_o.astype(jnp.int32))

    vals = _chunk_scan(i_seq, jnp.arctanh(r_seq), prev, m0g, I0, S)
    return _sc_scatter(m0, i_seq, vals.reshape(T), keep)

# --- scband reference (transcript-rebuilt; emitter-appended) ---
"""Pipeline reference for scband-pcircuit-60060822667786 (READ-ONLY COPY).

The authoritative reference and input builder live on the scoring server;
editing this copy changes nothing except your own understanding.
"""

import jax, jax.numpy as jnp
import numpy as np

N = 8192
STEPS = 4096
BETA = 1.0

def setup_inputs(seed: int = 0) -> dict:
    key = jax.random.key(seed)
    k1, k2, k3, k4, k5 = jax.random.split(key, 5)
    # random_graph(n): symmetric, zero-diagonal, nonnegative weights present w.p. 0.5
    U = jax.random.uniform(k1, (N, N), dtype=jnp.float32)
    M = (jax.random.uniform(k2, (N, N)) < 0.5).astype(jnp.float32)
    Wu = jnp.triu(U * M, k=1)
    W = Wu + Wu.T
    # maxcut_J(W) = -W
    J = -W
    h = jnp.zeros((N,), dtype=jnp.float32)
    # initial spins m in {-1, +1}
    m0 = jax.random.randint(k3, (N,), 0, 2).astype(jnp.float32) * 2.0 - 1.0
    # pre-drawn per-step randomness (torch draws these inside forward)
    i_seq = jax.random.randint(k4, (STEPS,), 0, N, dtype=jnp.int32)
    r_seq = jax.random.uniform(k5, (STEPS,), dtype=jnp.float32, minval=-1.0, maxval=1.0)  # 'continuous' noise: r in (-1, 1)
    return {"J": J, "h": h, "m0": m0, "i_seq": i_seq, "r_seq": r_seq, "steps": STEPS}

def reference(J, h, m0, i_seq, r_seq, steps):
    # Faithful PCircuit.forward(steps, noise_type='continuous'):
    # sequential single-pbit updates: gather row J[i], dot with state m,
    # tanh activation, stochastic sign, scatter-overwrite m[i].
    def step(m, inp):
        i, r = inp
        I_i = jnp.dot(J[i], m) + h[i]
        p_i = jnp.tanh(BETA * I_i)
        m_i = jnp.sign(p_i - r)
        m_i = jnp.where(m_i == 0.0, jnp.float32(1.0), m_i)
        # torch does self.m[i] = m_i.detach()
        m = m.at[i].set(jax.lax.stop_gradient(m_i))
        return m, None
    m_final, _ = jax.lax.scan(step, m0, (i_seq, r_seq))
    return m_final

if __name__ == "__main__":
    import jax
    _d = setup_inputs()
    print(jax.jit(kernel)(*tuple(_d.values())))

</pallas_src>

<mosaic_0001>
#map = affine_map<(d0, d1) -> (0, 0)>
#map1 = affine_map<(d0, d1) -> (0)>
module attributes {stable_mosaic.version = 14 : i64} {
  func.func @_sc_extract_body(%arg0: i32, %arg1: i32, %arg2: memref<8192x8192xf32, #tpu.memory_space<hbm>>, %arg3: memref<4096xi32, #tpu.memory_space<hbm>>, %arg4: memref<8192xf32, #tpu.memory_space<hbm>>, %arg5: memref<4096x4096xf32, #tpu.memory_space<hbm>>, %arg6: memref<4096xf32, #tpu.memory_space<hbm>>, %arg7: memref<4096xi32, #tpu.memory_space<vmem>>, %arg8: memref<8192xf32, #tpu.memory_space<vmem>>, %arg9: memref<8192xf32, #tpu.memory_space<vmem>>, %arg10: memref<8192xf32, #tpu.memory_space<vmem>>, %arg11: memref<8192xf32, #tpu.memory_space<vmem>>, %arg12: memref<8192xf32, #tpu.memory_space<vmem>>, %arg13: memref<4096xf32, #tpu.memory_space<vmem>>, %arg14: memref<4096xf32, #tpu.memory_space<vmem>>, %arg15: memref<4096xf32, #tpu.memory_space<vmem>>, %arg16: memref<4096xf32, #tpu.memory_space<vmem>>, %arg17: memref<128xf32, #tpu.memory_space<vmem>>, %arg18: memref<128xi32, #tpu.memory_space<smem>>, %arg19: memref<!tpu.dma_semaphore, #tpu.memory_space<semaphore_mem>>, %arg20: memref<!tpu.dma_semaphore, #tpu.memory_space<semaphore_mem>>, %arg21: memref<!tpu.dma_semaphore, #tpu.memory_space<semaphore_mem>>, %arg22: memref<!tpu.dma_semaphore, #tpu.memory_space<semaphore_mem>>, %arg23: memref<!tpu.dma_semaphore, #tpu.memory_space<semaphore_mem>>, %arg24: memref<!tpu.dma_semaphore, #tpu.memory_space<semaphore_mem>>, %arg25: memref<!tpu.dma_semaphore, #tpu.memory_space<semaphore_mem>>, %arg26: memref<!tpu.dma_semaphore, #tpu.memory_space<semaphore_mem>>) attributes {dimension_semantics = [#tpu.dimension_semantics<core_parallel>, #tpu.dimension_semantics<subcore_parallel>], iteration_bounds = array<i64: 2, 16>, scalar_prefetch = 0 : i64, scratch_operands = 20 : i64, tpu.core_type = #tpu.core_type<sc_vector_subcore>, window_params = [{transform_indices = #map}, {transform_indices = #map1}, {transform_indices = #map1}, {transform_indices = #map}, {transform_indices = #map1}]} {
    %mul3A = arith.constant 2 : i32
    %mul3A_0 = arith.muli %arg1, %mul3A : i32
    %add3A = arith.addi %mul3A_0, %arg0 : i32
    %mul3A_1 = arith.constant 128 : i32
    %mul3A_2 = arith.muli %add3A, %mul3A_1 : i32
    "tpu.region"() ({
      %run_scoped3A = tpu.sem_alloc : memref<!tpu.dma_semaphore, #tpu.memory_space<semaphore_mem>>
      tpu.enqueue_dma source(%arg3 : memref<4096xi32, #tpu.memory_space<hbm>>) target(%arg7 : memref<4096xi32, #tpu.memory_space<vmem>>) target_semaphore(%run_scoped3A : memref<!tpu.dma_semaphore, #tpu.memory_space<semaphore_mem>>)
      tpu.wait_dma2 semaphore(%run_scoped3A : memref<!tpu.dma_semaphore, #tpu.memory_space<semaphore_mem>>) src(%arg3 : memref<4096xi32, #tpu.memory_space<hbm>>) dst(%arg7 : memref<4096xi32, #tpu.memory_space<vmem>>)
      tpu.yield
    }) : () -> ()
    "tpu.region"() ({
      %run_scoped3A = tpu.sem_alloc : memref<!tpu.dma_semaphore, #tpu.memory_space<semaphore_mem>>
      tpu.enqueue_dma source(%arg4 : memref<8192xf32, #tpu.memory_space<hbm>>) target(%arg8 : memref<8192xf32, #tpu.memory_space<vmem>>) target_semaphore(%run_scoped3A : memref<!tpu.dma_semaphore, #tpu.memory_space<semaphore_mem>>)
      tpu.wait_dma2 semaphore(%run_scoped3A : memref<!tpu.dma_semaphore, #tpu.memory_space<semaphore_mem>>) src(%arg4 : memref<8192xf32, #tpu.memory_space<hbm>>) dst(%arg8 : memref<8192xf32, #tpu.memory_space<vmem>>)
      tpu.yield
    }) : () -> ()
    %scan3A = arith.constant 0 : i32
    %scan3A_3 = arith.constant 0 : i32
    %scan3A_4 = arith.constant 8 : i32
    %scan3A_5 = arith.addi %scan3A_3, %scan3A_4 : i32
    %scan3A_6 = arith.constant 1 : i32
    scf.for %scan3A_109 = %scan3A_3 to %scan3A_5 step %scan3A_6  : i32 {
      %mul3A_110 = arith.constant 16 : i32
      %mul3A_111 = arith.muli %scan3A_109, %mul3A_110 : i32
      %add3A_112 = arith.addi %mul3A_2, %mul3A_111 : i32
      %get3A_113 = arith.index_cast %add3A_112 : i32 to index
      %get3A_114 = tpu.vector_load %arg7[%get3A_113] {strides = array<i32>} : memref<4096xi32, #tpu.memory_space<vmem>>, vector<16xi32>,
      %slice3A = vector.extract_strided_slice %get3A_114 {offsets = [0], sizes = [1], strides = [1]} : vector<16xi32> to vector<1xi32>
      %squeeze3A = vector.extract %slice3A[0] : i32 from vector<1xi32>
      %mul3A_115 = arith.constant 16 : i32
      %mul3A_116 = arith.muli %scan3A_109, %mul3A_115 : i32
      %add3A_117 = arith.constant 0 : i32
      %add3A_118 = arith.addi %mul3A_116, %add3A_117 : i32
      %swap3A = arith.index_cast %add3A_118 : i32 to index
      %swap3A_119 = memref.load %arg18[%swap3A] : memref<128xi32, #tpu.memory_space<smem>>
      memref.store %squeeze3A, %arg18[%swap3A] : memref<128xi32, #tpu.memory_space<smem>>
      %slice3A_120 = vector.extract_strided_slice %get3A_114 {offsets = [1], sizes = [1], strides = [1]} : vector<16xi32> to vector<1xi32>
      %squeeze3A_121 = vector.extract %slice3A_120[0] : i32 from vector<1xi32>
      %mul3A_122 = arith.constant 16 : i32
      %mul3A_123 = arith.muli %scan3A_109, %mul3A_122 : i32
      %add3A_124 = arith.constant 1 : i32
      %add3A_125 = arith.addi %mul3A_123, %add3A_124 : i32
      %swap3A_126 = arith.index_cast %add3A_125 : i32 to index
      %swap3A_127 = memref.load %arg18[%swap3A_126] : memref<128xi32, #tpu.memory_space<smem>>
      memref.store %squeeze3A_121, %arg18[%swap3A_126] : memref<128xi32, #tpu.memory_space<smem>>
      %slice3A_128 = vector.extract_strided_slice %get3A_114 {offsets = [2], sizes = [1], strides = [1]} : vector<16xi32> to vector<1xi32>
      %squeeze3A_129 = vector.extract %slice3A_128[0] : i32 from vector<1xi32>
      %mul3A_130 = arith.constant 16 : i32
      %mul3A_131 = arith.muli %scan3A_109, %mul3A_130 : i32
      %add3A_132 = arith.constant 2 : i32
      %add3A_133 = arith.addi %mul3A_131, %add3A_132 : i32
      %swap3A_134 = arith.index_cast %add3A_133 : i32 to index
      %swap3A_135 = memref.load %arg18[%swap3A_134] : memref<128xi32, #tpu.memory_space<smem>>
      memref.store %squeeze3A_129, %arg18[%swap3A_134] : memref<128xi32, #tpu.memory_space<smem>>
      %slice3A_136 = vector.extract_strided_slice %get3A_114 {offsets = [3], sizes = [1], strides = [1]} : vector<16xi32> to vector<1xi32>
      %squeeze3A_137 = vector.extract %slice3A_136[0] : i32 from vector<1xi32>
      %mul3A_138 = arith.constant 16 : i32
      %mul3A_139 = arith.muli %scan3A_109, %mul3A_138 : i32
      %add3A_140 = arith.constant 3 : i32
      %add3A_141 = arith.addi %mul3A_139, %add3A_140 : i32
      %swap3A_142 = arith.index_cast %add3A_141 : i32 to index
      %swap3A_143 = memref.load %arg18[%swap3A_142] : memref<128xi32, #tpu.memory_space<smem>>
      memref.store %squeeze3A_137, %arg18[%swap3A_142] : memref<128xi32, #tpu.memory_space<smem>>
      %slice3A_144 = vector.extract_strided_slice %get3A_114 {offsets = [4], sizes = [1], strides = [1]} : vector<16xi32> to vector<1xi32>
      %squeeze3A_145 = vector.extract %slice3A_144[0] : i32 from vector<1xi32>
      %mul3A_146 = arith.constant 16 : i32
      %mul3A_147 = arith.muli %scan3A_109, %mul3A_146 : i32
      %add3A_148 = arith.constant 4 : i32
      %add3A_149 = arith.addi %mul3A_147, %add3A_148 : i32
      %swap3A_150 = arith.index_cast %add3A_149 : i32 to index
      %swap3A_151 = memref.load %arg18[%swap3A_150] : memref<128xi32, #tpu.memory_space<smem>>
      memref.store %squeeze3A_145, %arg18[%swap3A_150] : memref<128xi32, #tpu.memory_space<smem>>
      %slice3A_152 = vector.extract_strided_slice %get3A_114 {offsets = [5], sizes = [1], strides = [1]} : vector<16xi32> to vector<1xi32>
      %squeeze3A_153 = vector.extract %slice3A_152[0] : i32 from vector<1xi32>
      %mul3A_154 = arith.constant 16 : i32
      %mul3A_155 = arith.muli %scan3A_109, %mul3A_154 : i32
      %add3A_156 = arith.constant 5 : i32
      %add3A_157 = arith.addi %mul3A_155, %add3A_156 : i32
      %swap3A_158 = arith.index_cast %add3A_157 : i32 to index
      %swap3A_159 = memref.load %arg18[%swap3A_158] : memref<128xi32, #tpu.memory_space<smem>>
      memref.store %squeeze3A_153, %arg18[%swap3A_158] : memref<128xi32, #tpu.memory_space<smem>>
      %slice3A_160 = vector.extract_strided_slice %get3A_114 {offsets = [6], sizes = [1], strides = [1]} : vector<16xi32> to vector<1xi32>
      %squeeze3A_161 = vector.extract %slice3A_160[0] : i32 from vector<1xi32>
      %mul3A_162 = arith.constant 16 : i32
      %mul3A_163 = arith.muli %scan3A_109, %mul3A_162 : i32
      %add3A_164 = arith.constant 6 : i32
      %add3A_165 = arith.addi %mul3A_163, %add3A_164 : i32
      %swap3A_166 = arith.index_cast %add3A_165 : i32 to index
      %swap3A_167 = memref.load %arg18[%swap3A_166] : memref<128xi32, #tpu.memory_space<smem>>
      memref.store %squeeze3A_161, %arg18[%swap3A_166] : memref<128xi32, #tpu.memory_space<smem>>
      %slice3A_168 = vector.extract_strided_slice %get3A_114 {offsets = [7], sizes = [1], strides = [1]} : vector<16xi32> to vector<1xi32>
      %squeeze3A_169 = vector.extract %slice3A_168[0] : i32 from vector<1xi32>
      %mul3A_170 = arith.constant 16 : i32
      %mul3A_171 = arith.muli %scan3A_109, %mul3A_170 : i32
      %add3A_172 = arith.constant 7 : i32
      %add3A_173 = arith.addi %mul3A_171, %add3A_172 : i32
      %swap3A_174 = arith.index_cast %add3A_173 : i32 to index
      %swap3A_175 = memref.load %arg18[%swap3A_174] : memref<128xi32, #tpu.memory_space<smem>>
      memref.store %squeeze3A_169, %arg18[%swap3A_174] : memref<128xi32, #tpu.memory_space<smem>>
      %slice3A_176 = vector.extract_strided_slice %get3A_114 {offsets = [8], sizes = [1], strides = [1]} : vector<16xi32> to vector<1xi32>
      %squeeze3A_177 = vector.extract %slice3A_176[0] : i32 from vector<1xi32>
      %mul3A_178 = arith.constant 16 : i32
      %mul3A_179 = arith.muli %scan3A_109, %mul3A_178 : i32
      %add3A_180 = arith.constant 8 : i32
      %add3A_181 = arith.addi %mul3A_179, %add3A_180 : i32
      %swap3A_182 = arith.index_cast %add3A_181 : i32 to index
      %swap3A_183 = memref.load %arg18[%swap3A_182] : memref<128xi32, #tpu.memory_space<smem>>
      memref.store %squeeze3A_177, %arg18[%swap3A_182] : memref<128xi32, #tpu.memory_space<smem>>
      %slice3A_184 = vector.extract_strided_slice %get3A_114 {offsets = [9], sizes = [1], strides = [1]} : vector<16xi32> to vector<1xi32>
      %squeeze3A_185 = vector.extract %slice3A_184[0] : i32 from vector<1xi32>
      %mul3A_186 = arith.constant 16 : i32
      %mul3A_187 = arith.muli %scan3A_109, %mul3A_186 : i32
      %add3A_188 = arith.constant 9 : i32
      %add3A_189 = arith.addi %mul3A_187, %add3A_188 : i32
      %swap3A_190 = arith.index_cast %add3A_189 : i32 to index
      %swap3A_191 = memref.load %arg18[%swap3A_190] : memref<128xi32, #tpu.memory_space<smem>>
      memref.store %squeeze3A_185, %arg18[%swap3A_190] : memref<128xi32, #tpu.memory_space<smem>>
      %slice3A_192 = vector.extract_strided_slice %get3A_114 {offsets = [10], sizes = [1], strides = [1]} : vector<16xi32> to vector<1xi32>
      %squeeze3A_193 = vector.extract %slice3A_192[0] : i32 from vector<1xi32>
      %mul3A_194 = arith.constant 16 : i32
      %mul3A_195 = arith.muli %scan3A_109, %mul3A_194 : i32
      %add3A_196 = arith.constant 10 : i32
      %add3A_197 = arith.addi %mul3A_195, %add3A_196 : i32
      %swap3A_198 = arith.index_cast %add3A_197 : i32 to index
      %swap3A_199 = memref.load %arg18[%swap3A_198] : memref<128xi32, #tpu.memory_space<smem>>
      memref.store %squeeze3A_193, %arg18[%swap3A_198] : memref<128xi32, #tpu.memory_space<smem>>
      %slice3A_200 = vector.extract_strided_slice %get3A_114 {offsets = [11], sizes = [1], strides = [1]} : vector<16xi32> to vector<1xi32>
      %squeeze3A_201 = vector.extract %slice3A_200[0] : i32 from vector<1xi32>
      %mul3A_202 = arith.constant 16 : i32
      %mul3A_203 = arith.muli %scan3A_109, %mul3A_202 : i32
      %add3A_204 = arith.constant 11 : i32
      %add3A_205 = arith.addi %mul3A_203, %add3A_204 : i32
      %swap3A_206 = arith.index_cast %add3A_205 : i32 to index
      %swap3A_207 = memref.load %arg18[%swap3A_206] : memref<128xi32, #tpu.memory_space<smem>>
      memref.store %squeeze3A_201, %arg18[%swap3A_206] : memref<128xi32, #tpu.memory_space<smem>>
      %slice3A_208 = vector.extract_strided_slice %get3A_114 {offsets = [12], sizes = [1], strides = [1]} : vector<16xi32> to vector<1xi32>
      %squeeze3A_209 = vector.extract %slice3A_208[0] : i32 from vector<1xi32>
      %mul3A_210 = arith.constant 16 : i32
      %mul3A_211 = arith.muli %scan3A_109, %mul3A_210 : i32
      %add3A_212 = arith.constant 12 : i32
      %add3A_213 = arith.addi %mul3A_211, %add3A_212 : i32
      %swap3A_214 = arith.index_cast %add3A_213 : i32 to index
      %swap3A_215 = memref.load %arg18[%swap3A_214] : memref<128xi32, #tpu.memory_space<smem>>
      memref.store %squeeze3A_209, %arg18[%swap3A_214] : memref<128xi32, #tpu.memory_space<smem>>
      %slice3A_216 = vector.extract_strided_slice %get3A_114 {offsets = [13], sizes = [1], strides = [1]} : vector<16xi32> to vector<1xi32>
      %squeeze3A_217 = vector.extract %slice3A_216[0] : i32 from vector<1xi32>
      %mul3A_218 = arith.constant 16 : i32
      %mul3A_219 = arith.muli %scan3A_109, %mul3A_218 : i32
      %add3A_220 = arith.constant 13 : i32
      %add3A_221 = arith.addi %mul3A_219, %add3A_220 : i32
      %swap3A_222 = arith.index_cast %add3A_221 : i32 to index
      %swap3A_223 = memref.load %arg18[%swap3A_222] : memref<128xi32, #tpu.memory_space<smem>>
      memref.store %squeeze3A_217, %arg18[%swap3A_222] : memref<128xi32, #tpu.memory_space<smem>>
      %slice3A_224 = vector.extract_strided_slice %get3A_114 {offsets = [14], sizes = [1], strides = [1]} : vector<16xi32> to vector<1xi32>
      %squeeze3A_225 = vector.extract %slice3A_224[0] : i32 from vector<1xi32>
      %mul3A_226 = arith.constant 16 : i32
      %mul3A_227 = arith.muli %scan3A_109, %mul3A_226 : i32
      %add3A_228 = arith.constant 14 : i32
      %add3A_229 = arith.addi %mul3A_227, %add3A_228 : i32
      %swap3A_230 = arith.index_cast %add3A_229 : i32 to index
      %swap3A_231 = memref.load %arg18[%swap3A_230] : memref<128xi32, #tpu.memory_space<smem>>
      memref.store %squeeze3A_225, %arg18[%swap3A_230] : memref<128xi32, #tpu.memory_space<smem>>
      %slice3A_232 = vector.extract_strided_slice %get3A_114 {offsets = [15], sizes = [1], strides = [1]} : vector<16xi32> to vector<1xi32>
      %squeeze3A_233 = vector.extract %slice3A_232[0] : i32 from vector<1xi32>
      %mul3A_234 = arith.constant 16 : i32
      %mul3A_235 = arith.muli %scan3A_109, %mul3A_234 : i32
      %add3A_236 = arith.constant 15 : i32
      %add3A_237 = arith.addi %mul3A_235, %add3A_236 : i32
      %swap3A_238 = arith.index_cast %add3A_237 : i32 to index
      %swap3A_239 = memref.load %arg18[%swap3A_238] : memref<128xi32, #tpu.memory_space<smem>>
      memref.store %squeeze3A_233, %arg18[%swap3A_238] : memref<128xi32, #tpu.memory_space<smem>>
    }
    %scan3A_7 = arith.constant 8 : i32
    %scan3A_8 = arith.constant 0 : i32
    %scan3A_9 = arith.constant 0 : i32
    %scan3A_10 = arith.constant 8 : i32
    %scan3A_11 = arith.addi %scan3A_9, %scan3A_10 : i32
    %scan3A_12 = arith.constant 1 : i32
    scf.for %scan3A_109 = %scan3A_9 to %scan3A_11 step %scan3A_12  : i32 {
      %mul3A_110 = arith.constant 16 : i32
      %mul3A_111 = arith.muli %scan3A_109, %mul3A_110 : i32
      %add3A_112 = arith.addi %mul3A_2, %mul3A_111 : i32
      %get3A_113 = arith.index_cast %add3A_112 : i32 to index
      %get3A_114 = tpu.vector_load %arg7[%get3A_113] {strides = array<i32>} : memref<4096xi32, #tpu.memory_space<vmem>>, vector<16xi32>,
      %gather3A = tpu.vector_load_idx %arg8[%get3A_114] : memref<8192xf32, #tpu.memory_space<vmem>>[vector<16xi32>], vector<16xf32>,
      %mul3A_115 = arith.constant 16 : i32
      %mul3A_116 = arith.muli %scan3A_109, %mul3A_115 : i32
      %swap3A = arith.index_cast %mul3A_116 : i32 to index
      %swap3A_117 = tpu.vector_load %arg17[%swap3A] {strides = array<i32>} : memref<128xf32, #tpu.memory_space<vmem>>, vector<16xf32>,
      tpu.vector_store %arg17[%swap3A], %gather3A {strides = array<i32>} : memref<128xf32, #tpu.memory_space<vmem>>, vector<16xf32>,
    }
    %scan3A_13 = arith.constant 8 : i32
    "tpu.region"() ({
      %run_scoped3A = tpu.sem_alloc : memref<!tpu.dma_semaphore, #tpu.memory_space<semaphore_mem>>
      %dma_start3A_109 = tpu.memref_slice %arg6[%mul3A_2] : memref<4096xf32, #tpu.memory_space<hbm>> -> memref<128xf32, #tpu.memory_space<hbm>>
      %dma_start3A_110 = tpu.memref_slice %arg6[%mul3A_2] : memref<4096xf32, #tpu.memory_space<hbm>> -> memref<128xf32, #tpu.memory_space<hbm>>
      tpu.enqueue_dma source(%arg17 : memref<128xf32, #tpu.memory_space<vmem>>) target(%dma_start3A_110 : memref<128xf32, #tpu.memory_space<hbm>>) target_semaphore(%run_scoped3A : memref<!tpu.dma_semaphore, #tpu.memory_space<semaphore_mem>>)
      %dma_wait3A_111 = tpu.memref_slice %arg6[%mul3A_2] : memref<4096xf32, #tpu.memory_space<hbm>> -> memref<128xf32, #tpu.memory_space<hbm>>
      %dma_wait3A_112 = tpu.memref_slice %arg6[%mul3A_2] : memref<4096xf32, #tpu.memory_space<hbm>> -> memref<128xf32, #tpu.memory_space<hbm>>
      tpu.wait_dma2 semaphore(%run_scoped3A : memref<!tpu.dma_semaphore, #tpu.memory_space<semaphore_mem>>) src(%arg17 : memref<128xf32, #tpu.memory_space<vmem>>) dst(%dma_wait3A_112 : memref<128xf32, #tpu.memory_space<hbm>>)
      tpu.yield
    }) : () -> ()
    %get3A = arith.constant 0 : i32
    %get3A_14 = arith.index_cast %get3A : i32 to index
    %get3A_15 = memref.load %arg18[%get3A_14] : memref<128xi32, #tpu.memory_space<smem>>
    %dma_start3A = arith.constant 0 : i32
    %dma_start3A_16 = tpu.memref_slice %arg2[%get3A_15, %dma_start3A] : memref<8192x8192xf32, #tpu.memory_space<hbm>> -> memref<1x8192xf32, #tpu.memory_space<hbm>>
    %dma_start3A_17 = tpu.memref_squeeze %dma_start3A_16 : memref<1x8192xf32, #tpu.memory_space<hbm>> -> memref<8192xf32, #tpu.memory_space<hbm>>
    %dma_start3A_18 = arith.constant 0 : i32
    %dma_start3A_19 = tpu.memref_slice %arg2[%get3A_15, %dma_start3A_18] : memref<8192x8192xf32, #tpu.memory_space<hbm>> -> memref<1x8192xf32, #tpu.memory_space<hbm>>
    %dma_start3A_20 = tpu.memref_squeeze %dma_start3A_19 : memref<1x8192xf32, #tpu.memory_space<hbm>> -> memref<8192xf32, #tpu.memory_space<hbm>>
    tpu.enqueue_dma source(%dma_start3A_20 : memref<8192xf32, #tpu.memory_space<hbm>>) target(%arg9 : memref<8192xf32, #tpu.memory_space<vmem>>) target_semaphore(%arg19 : memref<!tpu.dma_semaphore, #tpu.memory_space<semaphore_mem>>)
    %get3A_21 = arith.constant 1 : i32
    %get3A_22 = arith.index_cast %get3A_21 : i32 to index
    %get3A_23 = memref.load %arg18[%get3A_22] : memref<128xi32, #tpu.memory_space<smem>>
    %dma_start3A_24 = arith.constant 0 : i32
    %dma_start3A_25 = tpu.memref_slice %arg2[%get3A_23, %dma_start3A_24] : memref<8192x8192xf32, #tpu.memory_space<hbm>> -> memref<1x8192xf32, #tpu.memory_space<hbm>>
    %dma_start3A_26 = tpu.memref_squeeze %dma_start3A_25 : memref<1x8192xf32, #tpu.memory_space<hbm>> -> memref<8192xf32, #tpu.memory_space<hbm>>
    %dma_start3A_27 = arith.constant 0 : i32
    %dma_start3A_28 = tpu.memref_slice %arg2[%get3A_23, %dma_start3A_27] : memref<8192x8192xf32, #tpu.memory_space<hbm>> -> memref<1x8192xf32, #tpu.memory_space<hbm>>
    %dma_start3A_29 = tpu.memref_squeeze %dma_start3A_28 : memref<1x8192xf32, #tpu.memory_space<hbm>> -> memref<8192xf32, #tpu.memory_space<hbm>>
    tpu.enqueue_dma source(%dma_start3A_29 : memref<8192xf32, #tpu.memory_space<hbm>>) target(%arg10 : memref<8192xf32, #tpu.memory_space<vmem>>) target_semaphore(%arg20 : memref<!tpu.dma_semaphore, #tpu.memory_space<semaphore_mem>>)
    %get3A_30 = arith.constant 2 : i32
    %get3A_31 = arith.index_cast %get3A_30 : i32 to index
    %get3A_32 = memref.load %arg18[%get3A_31] : memref<128xi32, #tpu.memory_space<smem>>
    %dma_start3A_33 = arith.constant 0 : i32
    %dma_start3A_34 = tpu.memref_slice %arg2[%get3A_32, %dma_start3A_33] : memref<8192x8192xf32, #tpu.memory_space<hbm>> -> memref<1x8192xf32, #tpu.memory_space<hbm>>
    %dma_start3A_35 = tpu.memref_squeeze %dma_start3A_34 : memref<1x8192xf32, #tpu.memory_space<hbm>> -> memref<8192xf32, #tpu.memory_space<hbm>>
    %dma_start3A_36 = arith.constant 0 : i32
    %dma_start3A_37 = tpu.memref_slice %arg2[%get3A_32, %dma_start3A_36] : memref<8192x8192xf32, #tpu.memory_space<hbm>> -> memref<1x8192xf32, #tpu.memory_space<hbm>>
    %dma_start3A_38 = tpu.memref_squeeze %dma_start3A_37 : memref<1x8192xf32, #tpu.memory_space<hbm>> -> memref<8192xf32, #tpu.memory_space<hbm>>
    tpu.enqueue_dma source(%dma_start3A_38 : memref<8192xf32, #tpu.memory_space<hbm>>) target(%arg11 : memref<8192xf32, #tpu.memory_space<vmem>>) target_semaphore(%arg21 : memref<!tpu.dma_semaphore, #tpu.memory_space<semaphore_mem>>)
    %get3A_39 = arith.constant 3 : i32
    %get3A_40 = arith.index_cast %get3A_39 : i32 to index
    %get3A_41 = memref.load %arg18[%get3A_40] : memref<128xi32, #tpu.memory_space<smem>>
    %dma_start3A_42 = arith.constant 0 : i32
    %dma_start3A_43 = tpu.memref_slice %arg2[%get3A_41, %dma_start3A_42] : memref<8192x8192xf32, #tpu.memory_space<hbm>> -> memref<1x8192xf32, #tpu.memory_space<hbm>>
    %dma_start3A_44 = tpu.memref_squeeze %dma_start3A_43 : memref<1x8192xf32, #tpu.memory_space<hbm>> -> memref<8192xf32, #tpu.memory_space<hbm>>
    %dma_start3A_45 = arith.constant 0 : i32
    %dma_start3A_46 = tpu.memref_slice %arg2[%get3A_41, %dma_start3A_45] : memref<8192x8192xf32, #tpu.memory_space<hbm>> -> memref<1x8192xf32, #tpu.memory_space<hbm>>
    %dma_start3A_47 = tpu.memref_squeeze %dma_start3A_46 : memref<1x8192xf32, #tpu.memory_space<hbm>> -> memref<8192xf32, #tpu.memory_space<hbm>>
    tpu.enqueue_dma source(%dma_start3A_47 : memref<8192xf32, #tpu.memory_space<hbm>>) target(%arg12 : memref<8192xf32, #tpu.memory_space<vmem>>) target_semaphore(%arg22 : memref<!tpu.dma_semaphore, #tpu.memory_space<semaphore_mem>>)
    %scan3A_48 = arith.constant 0 : i32
    %scan3A_49 = arith.constant 0 : i32
    %scan3A_50 = arith.constant 32 : i32
    %scan3A_51 = arith.addi %scan3A_49, %scan3A_50 : i32
    %scan3A_52 = arith.constant 1 : i32
    scf.for %scan3A_109 = %scan3A_49 to %scan3A_51 step %scan3A_52  : i32 {
      %mul3A_110 = arith.constant 4 : i32
      %mul3A_111 = arith.muli %mul3A_110, %scan3A_109 : i32
      %add3A_112 = arith.constant 0 : i32
      %add3A_113 = arith.addi %mul3A_111, %add3A_112 : i32
      %dma_wait3A_114 = arith.constant 0 : i32
      %dma_wait3A_115 = arith.constant 0 : i32
      %dma_wait3A_116 = tpu.memref_slice %arg2[%dma_wait3A_114, %dma_wait3A_115] : memref<8192x8192xf32, #tpu.memory_space<hbm>> -> memref<1x8192xf32, #tpu.memory_space<hbm>>
      %dma_wait3A_117 = tpu.memref_squeeze %dma_wait3A_116 : memref<1x8192xf32, #tpu.memory_space<hbm>> -> memref<8192xf32, #tpu.memory_space<hbm>>
      %dma_wait3A_118 = arith.constant 0 : i32
      %dma_wait3A_119 = tpu.memref_slice %arg2[%dma_wait3A_114, %dma_wait3A_118] : memref<8192x8192xf32, #tpu.memory_space<hbm>> -> memref<1x8192xf32, #tpu.memory_space<hbm>>
      %dma_wait3A_120 = tpu.memref_squeeze %dma_wait3A_119 : memref<1x8192xf32, #tpu.memory_space<hbm>> -> memref<8192xf32, #tpu.memory_space<hbm>>
      tpu.wait_dma2 semaphore(%arg19 : memref<!tpu.dma_semaphore, #tpu.memory_space<semaphore_mem>>) src(%dma_wait3A_120 : memref<8192xf32, #tpu.memory_space<hbm>>) dst(%arg9 : memref<8192xf32, #tpu.memory_space<vmem>>)
      %gt3A = arith.constant 0 : i32
      %gt3A_121 = arith.cmpi sgt, %scan3A_109, %gt3A : i32
      %convert_element_type3A = arith.extui %gt3A_121 : i1 to i32
      %cond3A = arith.constant 0 : i32
      %cond3A_122 = arith.cmpi ne, %convert_element_type3A, %cond3A : i32
      scf.if %cond3A_122 {
        %dma_wait3A_286 = arith.constant 0 : i32
        %dma_wait3A_287 = arith.constant 0 : i32
        %dma_wait3A_288 = tpu.memref_slice %arg5[%dma_wait3A_286, %dma_wait3A_287] : memref<4096x4096xf32, #tpu.memory_space<hbm>> -> memref<1x4096xf32, #tpu.memory_space<hbm>>
        %dma_wait3A_289 = tpu.memref_squeeze %dma_wait3A_288 : memref<1x4096xf32, #tpu.memory_space<hbm>> -> memref<4096xf32, #tpu.memory_space<hbm>>
        %dma_wait3A_290 = arith.constant 0 : i32
        %dma_wait3A_291 = tpu.memref_slice %arg5[%dma_wait3A_286, %dma_wait3A_290] : memref<4096x4096xf32, #tpu.memory_space<hbm>> -> memref<1x4096xf32, #tpu.memory_space<hbm>>
        %dma_wait3A_292 = tpu.memref_squeeze %dma_wait3A_291 : memref<1x4096xf32, #tpu.memory_space<hbm>> -> memref<4096xf32, #tpu.memory_space<hbm>>
        tpu.wait_dma2 semaphore(%arg23 : memref<!tpu.dma_semaphore, #tpu.memory_space<semaphore_mem>>) src(%arg13 : memref<4096xf32, #tpu.memory_space<vmem>>) dst(%dma_wait3A_292 : memref<4096xf32, #tpu.memory_space<hbm>>)
      } else {
      }
      %scan3A_123 = arith.constant 0 : i32
      %scan3A_124 = arith.constant 0 : i32
      %scan3A_125 = arith.constant 256 : i32
      %scan3A_126 = arith.addi %scan3A_124, %scan3A_125 : i32
      %scan3A_127 = arith.constant 8 : i32
      scf.for %scan3A_286 = %scan3A_124 to %scan3A_126 step %scan3A_127  : i32 {
        %mul3A_287 = arith.constant 16 : i32
        %mul3A_288 = arith.muli %scan3A_286, %mul3A_287 : i32
        %get3A_289 = arith.index_cast %mul3A_288 : i32 to index
        %get3A_290 = tpu.vector_load %arg7[%get3A_289] {strides = array<i32>} : memref<4096xi32, #tpu.memory_space<vmem>>, vector<16xi32>,
        %gather3A = tpu.vector_load_idx %arg9[%get3A_290] : memref<8192xf32, #tpu.memory_space<vmem>>[vector<16xi32>], vector<16xf32>,
        %mul3A_291 = arith.constant 16 : i32
        %mul3A_292 = arith.muli %scan3A_286, %mul3A_291 : i32
        %swap3A = arith.index_cast %mul3A_292 : i32 to index
        %swap3A_293 = tpu.vector_load %arg13[%swap3A] {strides = array<i32>} : memref<4096xf32, #tpu.memory_space<vmem>>, vector<16xf32>,
        tpu.vector_store %arg13[%swap3A], %gather3A {strides = array<i32>} : memref<4096xf32, #tpu.memory_space<vmem>>, vector<16xf32>,
        %scan3A_294 = arith.constant 1 : i32
        %scan3A_295 = arith.addi %scan3A_286, %scan3A_294 : i32
        %mul3A_296 = arith.constant 16 : i32
        %mul3A_297 = arith.muli %scan3A_295, %mul3A_296 : i32
        %get3A_298 = arith.index_cast %mul3A_297 : i32 to index
        %get3A_299 = tpu.vector_load %arg7[%get3A_298] {strides = array<i32>} : memref<4096xi32, #tpu.memory_space<vmem>>, vector<16xi32>,
        %gather3A_300 = tpu.vector_load_idx %arg9[%get3A_299] : memref<8192xf32, #tpu.memory_space<vmem>>[vector<16xi32>], vector<16xf32>,
        %mul3A_301 = arith.constant 16 : i32
        %mul3A_302 = arith.muli %scan3A_295, %mul3A_301 : i32
        %swap3A_303 = arith.index_cast %mul3A_302 : i32 to index
        %swap3A_304 = tpu.vector_load %arg13[%swap3A_303] {strides = array<i32>} : memref<4096xf32, #tpu.memory_space<vmem>>, vector<16xf32>,
        tpu.vector_store %arg13[%swap3A_303], %gather3A_300 {strides = array<i32>} : memref<4096xf32, #tpu.memory_space<vmem>>, vector<16xf32>,
        %scan3A_305 = arith.constant 2 : i32
        %scan3A_306 = arith.addi %scan3A_286, %scan3A_305 : i32
        %mul3A_307 = arith.constant 16 : i32
        %mul3A_308 = arith.muli %scan3A_306, %mul3A_307 : i32
        %get3A_309 = arith.index_cast %mul3A_308 : i32 to index
        %get3A_310 = tpu.vector_load %arg7[%get3A_309] {strides = array<i32>} : memref<4096xi32, #tpu.memory_space<vmem>>, vector<16xi32>,
        %gather3A_311 = tpu.vector_load_idx %arg9[%get3A_310] : memref<8192xf32, #tpu.memory_space<vmem>>[vector<16xi32>], vector<16xf32>,
        %mul3A_312 = arith.constant 16 : i32
        %mul3A_313 = arith.muli %scan3A_306, %mul3A_312 : i32
        %swap3A_314 = arith.index_cast %mul3A_313 : i32 to index
        %swap3A_315 = tpu.vector_load %arg13[%swap3A_314] {strides = array<i32>} : memref<4096xf32, #tpu.memory_space<vmem>>, vector<16xf32>,
        tpu.vector_store %arg13[%swap3A_314], %gather3A_311 {strides = array<i32>} : memref<4096xf32, #tpu.memory_space<vmem>>, vector<16xf32>,
        %scan3A_316 = arith.constant 3 : i32
        %scan3A_317 = arith.addi %scan3A_286, %scan3A_316 : i32
        %mul3A_318 = arith.constant 16 : i32
        %mul3A_319 = arith.muli %scan3A_317, %mul3A_318 : i32
        %get3A_320 = arith.index_cast %mul3A_319 : i32 to index
        %get3A_321 = tpu.vector_load %arg7[%get3A_320] {strides = array<i32>} : memref<4096xi32, #tpu.memory_space<vmem>>, vector<16xi32>,
        %gather3A_322 = tpu.vector_load_idx %arg9[%get3A_321] : memref<8192xf32, #tpu.memory_space<vmem>>[vector<16xi32>], vector<16xf32>,
        %mul3A_323 = arith.constant 16 : i32
        %mul3A_324 = arith.muli %scan3A_317, %mul3A_323 : i32
        %swap3A_325 = arith.index_cast %mul3A_324 : i32 to index
        %swap3A_326 = tpu.vector_load %arg13[%swap3A_325] {strides = array<i32>} : memref<4096xf32, #tpu.memory_space<vmem>>, vector<16xf32>,
        tpu.vector_store %arg13[%swap3A_325], %gather3A_322 {strides = array<i32>} : memref<4096xf32, #tpu.memory_space<vmem>>, vector<16xf32>,
        %scan3A_327 = arith.constant 4 : i32
        %scan3A_328 = arith.addi %scan3A_286, %scan3A_327 : i32
        %mul3A_329 = arith.constant 16 : i32
        %mul3A_330 = arith.muli %scan3A_328, %mul3A_329 : i32
        %get3A_331 = arith.index_cast %mul3A_330 : i32 to index
        %get3A_332 = tpu.vector_load %arg7[%get3A_331] {strides = array<i32>} : memref<4096xi32, #tpu.memory_space<vmem>>, vector<16xi32>,
        %gather3A_333 = tpu.vector_load_idx %arg9[%get3A_332] : memref<8192xf32, #tpu.memory_space<vmem>>[vector<16xi32>], vector<16xf32>,
        %mul3A_334 = arith.constant 16 : i32
        %mul3A_335 = arith.muli %scan3A_328, %mul3A_334 : i32
        %swap3A_336 = arith.index_cast %mul3A_335 : i32 to index
        %swap3A_337 = tpu.vector_load %arg13[%swap3A_336] {strides = array<i32>} : memref<4096xf32, #tpu.memory_space<vmem>>, vector<16xf32>,
        tpu.vector_store %arg13[%swap3A_336], %gather3A_333 {strides = array<i32>} : memref<4096xf32, #tpu.memory_space<vmem>>, vector<16xf32>,
        %scan3A_338 = arith.constant 5 : i32
        %scan3A_339 = arith.addi %scan3A_286, %scan3A_338 : i32
        %mul3A_340 = arith.constant 16 : i32
        %mul3A_341 = arith.muli %scan3A_339, %mul3A_340 : i32
        %get3A_342 = arith.index_cast %mul3A_341 : i32 to index
        %get3A_343 = tpu.vector_load %arg7[%get3A_342] {strides = array<i32>} : memref<4096xi32, #tpu.memory_space<vmem>>, vector<16xi32>,
        %gather3A_344 = tpu.vector_load_idx %arg9[%get3A_343] : memref<8192xf32, #tpu.memory_space<vmem>>[vector<16xi32>], vector<16xf32>,
        %mul3A_345 = arith.constant 16 : i32
        %mul3A_346 = arith.muli %scan3A_339, %mul3A_345 : i32
        %swap3A_347 = arith.index_cast %mul3A_346 : i32 to index
        %swap3A_348 = tpu.vector_load %arg13[%swap3A_347] {strides = array<i32>} : memref<4096xf32, #tpu.memory_space<vmem>>, vector<16xf32>,
        tpu.vector_store %arg13[%swap3A_347], %gather3A_344 {strides = array<i32>} : memref<4096xf32, #tpu.memory_space<vmem>>, vector<16xf32>,
        %scan3A_349 = arith.constant 6 : i32
        %scan3A_350 = arith.addi %scan3A_286, %scan3A_349 : i32
        %mul3A_351 = arith.constant 16 : i32
        %mul3A_352 = arith.muli %scan3A_350, %mul3A_351 : i32
        %get3A_353 = arith.index_cast %mul3A_352 : i32 to index
        %get3A_354 = tpu.vector_load %arg7[%get3A_353] {strides = array<i32>} : memref<4096xi32, #tpu.memory_space<vmem>>, vector<16xi32>,
        %gather3A_355 = tpu.vector_load_idx %arg9[%get3A_354] : memref<8192xf32, #tpu.memory_space<vmem>>[vector<16xi32>], vector<16xf32>,
        %mul3A_356 = arith.constant 16 : i32
        %mul3A_357 = arith.muli %scan3A_350, %mul3A_356 : i32
        %swap3A_358 = arith.index_cast %mul3A_357 : i32 to index
        %swap3A_359 = tpu.vector_load %arg13[%swap3A_358] {strides = array<i32>} : memref<4096xf32, #tpu.memory_space<vmem>>, vector<16xf32>,
        tpu.vector_store %arg13[%swap3A_358], %gather3A_355 {strides = array<i32>} : memref<4096xf32, #tpu.memory_space<vmem>>, vector<16xf32>,
        %scan3A_360 = arith.constant 7 : i32
        %scan3A_361 = arith.addi %scan3A_286, %scan3A_360 : i32
        %mul3A_362 = arith.constant 16 : i32
        %mul3A_363 = arith.muli %scan3A_361, %mul3A_362 : i32
        %get3A_364 = arith.index_cast %mul3A_363 : i32 to index
        %get3A_365 = tpu.vector_load %arg7[%get3A_364] {strides = array<i32>} : memref<4096xi32, #tpu.memory_space<vmem>>, vector<16xi32>,
        %gather3A_366 = tpu.vector_load_idx %arg9[%get3A_365] : memref<8192xf32, #tpu.memory_space<vmem>>[vector<16xi32>], vector<16xf32>,
        %mul3A_367 = arith.constant 16 : i32
        %mul3A_368 = arith.muli %scan3A_361, %mul3A_367 : i32
        %swap3A_369 = arith.index_cast %mul3A_368 : i32 to index
        %swap3A_370 = tpu.vector_load %arg13[%swap3A_369] {strides = array<i32>} : memref<4096xf32, #tpu.memory_space<vmem>>, vector<16xf32>,
        tpu.vector_store %arg13[%swap3A_369], %gather3A_366 {strides = array<i32>} : memref<4096xf32, #tpu.memory_space<vmem>>, vector<16xf32>,
      }
      %scan3A_128 = arith.constant 256 : i32
      %add3A_129 = arith.addi %mul3A_2, %add3A_113 : i32
      %dma_start3A_130 = arith.constant 0 : i32
      %dma_start3A_131 = tpu.memref_slice %arg5[%add3A_129, %dma_start3A_130] : memref<4096x4096xf32, #tpu.memory_space<hbm>> -> memref<1x4096xf32, #tpu.memory_space<hbm>>
      %dma_start3A_132 = tpu.memref_squeeze %dma_start3A_131 : memref<1x4096xf32, #tpu.memory_space<hbm>> -> memref<4096xf32, #tpu.memory_space<hbm>>
      %dma_start3A_133 = arith.constant 0 : i32
      %dma_start3A_134 = tpu.memref_slice %arg5[%add3A_129, %dma_start3A_133] : memref<4096x4096xf32, #tpu.memory_space<hbm>> -> memref<1x4096xf32, #tpu.memory_space<hbm>>
      %dma_start3A_135 = tpu.memref_squeeze %dma_start3A_134 : memref<1x4096xf32, #tpu.memory_space<hbm>> -> memref<4096xf32, #tpu.memory_space<hbm>>
      tpu.enqueue_dma source(%arg13 : memref<4096xf32, #tpu.memory_space<vmem>>) target(%dma_start3A_135 : memref<4096xf32, #tpu.memory_space<hbm>>) target_semaphore(%arg23 : memref<!tpu.dma_semaphore, #tpu.memory_space<semaphore_mem>>)
      %mul3A_136 = arith.constant 4 : i32
      %mul3A_137 = arith.muli %mul3A_136, %scan3A_109 : i32
      %add3A_138 = arith.constant 0 : i32
      %add3A_139 = arith.addi %mul3A_137, %add3A_138 : i32
      %add3A_140 = arith.constant 4 : i32
      %add3A_141 = arith.addi %add3A_139, %add3A_140 : i32
      %min3A = arith.constant 127 : i32
      %min3A_142 = arith.minsi %add3A_141, %min3A : i32
      %get3A_143 = arith.index_cast %min3A_142 : i32 to index
      %get3A_144 = memref.load %arg18[%get3A_143] : memref<128xi32, #tpu.memory_space<smem>>
      %dma_start3A_145 = arith.constant 0 : i32
      %dma_start3A_146 = tpu.memref_slice %arg2[%get3A_144, %dma_start3A_145] : memref<8192x8192xf32, #tpu.memory_space<hbm>> -> memref<1x8192xf32, #tpu.memory_space<hbm>>
      %dma_start3A_147 = tpu.memref_squeeze %dma_start3A_146 : memref<1x8192xf32, #tpu.memory_space<hbm>> -> memref<8192xf32, #tpu.memory_space<hbm>>
      %dma_start3A_148 = arith.constant 0 : i32
      %dma_start3A_149 = tpu.memref_slice %arg2[%get3A_144, %dma_start3A_148] : memref<8192x8192xf32, #tpu.memory_space<hbm>> -> memref<1x8192xf32, #tpu.memory_space<hbm>>
      %dma_start3A_150 = tpu.memref_squeeze %dma_start3A_149 : memref<1x8192xf32, #tpu.memory_space<hbm>> -> memref<8192xf32, #tpu.memory_space<hbm>>
      tpu.enqueue_dma source(%dma_start3A_150 : memref<8192xf32, #tpu.memory_space<hbm>>) target(%arg9 : memref<8192xf32, #tpu.memory_space<vmem>>) target_semaphore(%arg19 : memref<!tpu.dma_semaphore, #tpu.memory_space<semaphore_mem>>)
      %mul3A_151 = arith.constant 4 : i32
      %mul3A_152 = arith.muli %mul3A_151, %scan3A_109 : i32
      %add3A_153 = arith.constant 1 : i32
      %add3A_154 = arith.addi %mul3A_152, %add3A_153 : i32
      %dma_wait3A_155 = arith.constant 0 : i32
      %dma_wait3A_156 = arith.constant 0 : i32
      %dma_wait3A_157 = tpu.memref_slice %arg2[%dma_wait3A_155, %dma_wait3A_156] : memref<8192x8192xf32, #tpu.memory_space<hbm>> -> memref<1x8192xf32, #tpu.memory_space<hbm>>
      %dma_wait3A_158 = tpu.memref_squeeze %dma_wait3A_157 : memref<1x8192xf32, #tpu.memory_space<hbm>> -> memref<8192xf32, #tpu.memory_space<hbm>>
      %dma_wait3A_159 = arith.constant 0 : i32
      %dma_wait3A_160 = tpu.memref_slice %arg2[%dma_wait3A_155, %dma_wait3A_159] : memref<8192x8192xf32, #tpu.memory_space<hbm>> -> memref<1x8192xf32, #tpu.memory_space<hbm>>
      %dma_wait3A_161 = tpu.memref_squeeze %dma_wait3A_160 : memref<1x8192xf32, #tpu.memory_space<hbm>> -> memref<8192xf32, #tpu.memory_space<hbm>>
      tpu.wait_dma2 semaphore(%arg20 : memref<!tpu.dma_semaphore, #tpu.memory_space<semaphore_mem>>) src(%dma_wait3A_161 : memref<8192xf32, #tpu.memory_space<hbm>>) dst(%arg10 : memref<8192xf32, #tpu.memory_space<vmem>>)
      %gt3A_162 = arith.constant 0 : i32
      %gt3A_163 = arith.cmpi sgt, %scan3A_109, %gt3A_162 : i32
      %convert_element_type3A_164 = arith.extui %gt3A_163 : i1 to i32
      %cond3A_165 = arith.constant 0 : i32
      %cond3A_166 = arith.cmpi ne, %convert_element_type3A_164, %cond3A_165 : i32
      scf.if %cond3A_166 {
        %dma_wait3A_286 = arith.constant 0 : i32
        %dma_wait3A_287 = arith.constant 0 : i32
        %dma_wait3A_288 = tpu.memref_slice %arg5[%dma_wait3A_286, %dma_wait3A_287] : memref<4096x4096xf32, #tpu.memory_space<hbm>> -> memref<1x4096xf32, #tpu.memory_space<hbm>>
        %dma_wait3A_289 = tpu.memref_squeeze %dma_wait3A_288 : memref<1x4096xf32, #tpu.memory_space<hbm>> -> memref<4096xf32, #tpu.memory_space<hbm>>
        %dma_wait3A_290 = arith.constant 0 : i32
        %dma_wait3A_291 = tpu.memref_slice %arg5[%dma_wait3A_286, %dma_wait3A_290] : memref<4096x4096xf32, #tpu.memory_space<hbm>> -> memref<1x4096xf32, #tpu.memory_space<hbm>>
        %dma_wait3A_292 = tpu.memref_squeeze %dma_wait3A_291 : memref<1x4096xf32, #tpu.memory_space<hbm>> -> memref<4096xf32, #tpu.memory_space<hbm>>
        tpu.wait_dma2 semaphore(%arg24 : memref<!tpu.dma_semaphore, #tpu.memory_space<semaphore_mem>>) src(%arg14 : memref<4096xf32, #tpu.memory_space<vmem>>) dst(%dma_wait3A_292 : memref<4096xf32, #tpu.memory_space<hbm>>)
      } else {
      }
      %scan3A_167 = arith.constant 0 : i32
      %scan3A_168 = arith.constant 0 : i32
      %scan3A_169 = arith.constant 256 : i32
      %scan3A_170 = arith.addi %scan3A_168, %scan3A_169 : i32
      %scan3A_171 = arith.constant 8 : i32
      scf.for %scan3A_286 = %scan3A_168 to %scan3A_170 step %scan3A_171  : i32 {
        %mul3A_287 = arith.constant 16 : i32
        %mul3A_288 = arith.muli %scan3A_286, %mul3A_287 : i32
        %get3A_289 = arith.index_cast %mul3A_288 : i32 to index
        %get3A_290 = tpu.vector_load %arg7[%get3A_289] {strides = array<i32>} : memref<4096xi32, #tpu.memory_space<vmem>>, vector<16xi32>,
        %gather3A = tpu.vector_load_idx %arg10[%get3A_290] : memref<8192xf32, #tpu.memory_space<vmem>>[vector<16xi32>], vector<16xf32>,
        %mul3A_291 = arith.constant 16 : i32
        %mul3A_292 = arith.muli %scan3A_286, %mul3A_291 : i32
        %swap3A = arith.index_cast %mul3A_292 : i32 to index
        %swap3A_293 = tpu.vector_load %arg14[%swap3A] {strides = array<i32>} : memref<4096xf32, #tpu.memory_space<vmem>>, vector<16xf32>,
        tpu.vector_store %arg14[%swap3A], %gather3A {strides = array<i32>} : memref<4096xf32, #tpu.memory_space<vmem>>, vector<16xf32>,
        %scan3A_294 = arith.constant 1 : i32
        %scan3A_295 = arith.addi %scan3A_286, %scan3A_294 : i32
        %mul3A_296 = arith.constant 16 : i32
        %mul3A_297 = arith.muli %scan3A_295, %mul3A_296 : i32
        %get3A_298 = arith.index_cast %mul3A_297 : i32 to index
        %get3A_299 = tpu.vector_load %arg7[%get3A_298] {strides = array<i32>} : memref<4096xi32, #tpu.memory_space<vmem>>, vector<16xi32>,
        %gather3A_300 = tpu.vector_load_idx %arg10[%get3A_299] : memref<8192xf32, #tpu.memory_space<vmem>>[vector<16xi32>], vector<16xf32>,
        %mul3A_301 = arith.constant 16 : i32
        %mul3A_302 = arith.muli %scan3A_295, %mul3A_301 : i32
        %swap3A_303 = arith.index_cast %mul3A_302 : i32 to index
        %swap3A_304 = tpu.vector_load %arg14[%swap3A_303] {strides = array<i32>} : memref<4096xf32, #tpu.memory_space<vmem>>, vector<16xf32>,
        tpu.vector_store %arg14[%swap3A_303], %gather3A_300 {strides = array<i32>} : memref<4096xf32, #tpu.memory_space<vmem>>, vector<16xf32>,
        %scan3A_305 = arith.constant 2 : i32
        %scan3A_306 = arith.addi %scan3A_286, %scan3A_305 : i32
        %mul3A_307 = arith.constant 16 : i32
        %mul3A_308 = arith.muli %scan3A_306, %mul3A_307 : i32
        %get3A_309 = arith.index_cast %mul3A_308 : i32 to index
        %get3A_310 = tpu.vector_load %arg7[%get3A_309] {strides = array<i32>} : memref<4096xi32, #tpu.memory_space<vmem>>, vector<16xi32>,
        %gather3A_311 = tpu.vector_load_idx %arg10[%get3A_310] : memref<8192xf32, #tpu.memory_space<vmem>>[vector<16xi32>], vector<16xf32>,
        %mul3A_312 = arith.constant 16 : i32
        %mul3A_313 = arith.muli %scan3A_306, %mul3A_312 : i32
        %swap3A_314 = arith.index_cast %mul3A_313 : i32 to index
        %swap3A_315 = tpu.vector_load %arg14[%swap3A_314] {strides = array<i32>} : memref<4096xf32, #tpu.memory_space<vmem>>, vector<16xf32>,
        tpu.vector_store %arg14[%swap3A_314], %gather3A_311 {strides = array<i32>} : memref<4096xf32, #tpu.memory_space<vmem>>, vector<16xf32>,
        %scan3A_316 = arith.constant 3 : i32
        %scan3A_317 = arith.addi %scan3A_286, %scan3A_316 : i32
        %mul3A_318 = arith.constant 16 : i32
        %mul3A_319 = arith.muli %scan3A_317, %mul3A_318 : i32
        %get3A_320 = arith.index_cast %mul3A_319 : i32 to index
        %get3A_321 = tpu.vector_load %arg7[%get3A_320] {strides = array<i32>} : memref<4096xi32, #tpu.memory_space<vmem>>, vector<16xi32>,
        %gather3A_322 = tpu.vector_load_idx %arg10[%get3A_321] : memref<8192xf32, #tpu.memory_space<vmem>>[vector<16xi32>], vector<16xf32>,
        %mul3A_323 = arith.constant 16 : i32
        %mul3A_324 = arith.muli %scan3A_317, %mul3A_323 : i32
        %swap3A_325 = arith.index_cast %mul3A_324 : i32 to index
        %swap3A_326 = tpu.vector_load %arg14[%swap3A_325] {strides = array<i32>} : memref<4096xf32, #tpu.memory_space<vmem>>, vector<16xf32>,
        tpu.vector_store %arg14[%swap3A_325], %gather3A_322 {strides = array<i32>} : memref<4096xf32, #tpu.memory_space<vmem>>, vector<16xf32>,
        %scan3A_327 = arith.constant 4 : i32
        %scan3A_328 = arith.addi %scan3A_286, %scan3A_327 : i32
        %mul3A_329 = arith.constant 16 : i32
        %mul3A_330 = arith.muli %scan3A_328, %mul3A_329 : i32
        %get3A_331 = arith.index_cast %mul3A_330 : i32 to index
        %get3A_332 = tpu.vector_load %arg7[%get3A_331] {strides = array<i32>} : memref<4096xi32, #tpu.memory_space<vmem>>, vector<16xi32>,
        %gather3A_333 = tpu.vector_load_idx %arg10[%get3A_332] : memref<8192xf32, #tpu.memory_space<vmem>>[vector<16xi32>], vector<16xf32>,
        %mul3A_334 = arith.constant 16 : i32
        %mul3A_335 = arith.muli %scan3A_328, %mul3A_334 : i32
        %swap3A_336 = arith.index_cast %mul3A_335 : i32 to index
        %swap3A_337 = tpu.vector_load %arg14[%swap3A_336] {strides = array<i32>} : memref<4096xf32, #tpu.memory_space<vmem>>, vector<16xf32>,
        tpu.vector_store %arg14[%swap3A_336], %gather3A_333 {strides = array<i32>} : memref<4096xf32, #tpu.memory_space<vmem>>, vector<16xf32>,
        %scan3A_338 = arith.constant 5 : i32
        %scan3A_339 = arith.addi %scan3A_286, %scan3A_338 : i32
        %mul3A_340 = arith.constant 16 : i32
        %mul3A_341 = arith.muli %scan3A_339, %mul3A_340 : i32
        %get3A_342 = arith.index_cast %mul3A_341 : i32 to index
        %get3A_343 = tpu.vector_load %arg7[%get3A_342] {strides = array<i32>} : memref<4096xi32, #tpu.memory_space<vmem>>, vector<16xi32>,
        %gather3A_344 = tpu.vector_load_idx %arg10[%get3A_343] : memref<8192xf32, #tpu.memory_space<vmem>>[vector<16xi32>], vector<16xf32>,
        %mul3A_345 = arith.constant 16 : i32
        %mul3A_346 = arith.muli %scan3A_339, %mul3A_345 : i32
        %swap3A_347 = arith.index_cast %mul3A_346 : i32 to index
        %swap3A_348 = tpu.vector_load %arg14[%swap3A_347] {strides = array<i32>} : memref<4096xf32, #tpu.memory_space<vmem>>, vector<16xf32>,
        tpu.vector_store %arg14[%swap3A_347], %gather3A_344 {strides = array<i32>} : memref<4096xf32, #tpu.memory_space<vmem>>, vector<16xf32>,
        %scan3A_349 = arith.constant 6 : i32
        %scan3A_350 = arith.addi %scan3A_286, %scan3A_349 : i32
        %mul3A_351 = arith.constant 16 : i32
        %mul3A_352 = arith.muli %scan3A_350, %mul3A_351 : i32
        %get3A_353 = arith.index_cast %mul3A_352 : i32 to index
        %get3A_354 = tpu.vector_load %arg7[%get3A_353] {strides = array<i32>} : memref<4096xi32, #tpu.memory_space<vmem>>, vector<16xi32>,
        %gather3A_355 = tpu.vector_load_idx %arg10[%get3A_354] : memref<8192xf32, #tpu.memory_space<vmem>>[vector<16xi32>], vector<16xf32>,
        %mul3A_356 = arith.constant 16 : i32
        %mul3A_357 = arith.muli %scan3A_350, %mul3A_356 : i32
        %swap3A_358 = arith.index_cast %mul3A_357 : i32 to index
        %swap3A_359 = tpu.vector_load %arg14[%swap3A_358] {strides = array<i32>} : memref<4096xf32, #tpu.memory_space<vmem>>, vector<16xf32>,
        tpu.vector_store %arg14[%swap3A_358], %gather3A_355 {strides = array<i32>} : memref<4096xf32, #tpu.memory_space<vmem>>, vector<16xf32>,
        %scan3A_360 = arith.constant 7 : i32
        %scan3A_361 = arith.addi %scan3A_286, %scan3A_360 : i32
        %mul3A_362 = arith.constant 16 : i32
        %mul3A_363 = arith.muli %scan3A_361, %mul3A_362 : i32
        %get3A_364 = arith.index_cast %mul3A_363 : i32 to index
        %get3A_365 = tpu.vector_load %arg7[%get3A_364] {strides = array<i32>} : memref<4096xi32, #tpu.memory_space<vmem>>, vector<16xi32>,
        %gather3A_366 = tpu.vector_load_idx %arg10[%get3A_365] : memref<8192xf32, #tpu.memory_space<vmem>>[vector<16xi32>], vector<16xf32>,
        %mul3A_367 = arith.constant 16 : i32
        %mul3A_368 = arith.muli %scan3A_361, %mul3A_367 : i32
        %swap3A_369 = arith.index_cast %mul3A_368 : i32 to index
        %swap3A_370 = tpu.vector_load %arg14[%swap3A_369] {strides = array<i32>} : memref<4096xf32, #tpu.memory_space<vmem>>, vector<16xf32>,
        tpu.vector_store %arg14[%swap3A_369], %gather3A_366 {strides = array<i32>} : memref<4096xf32, #tpu.memory_space<vmem>>, vector<16xf32>,
      }
      %scan3A_172 = arith.constant 256 : i32
      %add3A_173 = arith.addi %mul3A_2, %add3A_154 : i32
      %dma_start3A_174 = arith.constant 0 : i32
      %dma_start3A_175 = tpu.memref_slice %arg5[%add3A_173, %dma_start3A_174] : memref<4096x4096xf32, #tpu.memory_space<hbm>> -> memref<1x4096xf32, #tpu.memory_space<hbm>>
      %dma_start3A_176 = tpu.memref_squeeze %dma_start3A_175 : memref<1x4096xf32, #tpu.memory_space<hbm>> -> memref<4096xf32, #tpu.memory_space<hbm>>
      %dma_start3A_177 = arith.constant 0 : i32
      %dma_start3A_178 = tpu.memref_slice %arg5[%add3A_173, %dma_start3A_177] : memref<4096x4096xf32, #tpu.memory_space<hbm>> -> memref<1x4096xf32, #tpu.memory_space<hbm>>
      %dma_start3A_179 = tpu.memref_squeeze %dma_start3A_178 : memref<1x4096xf32, #tpu.memory_space<hbm>> -> memref<4096xf32, #tpu.memory_space<hbm>>
      tpu.enqueue_dma source(%arg14 : memref<4096xf32, #tpu.memory_space<vmem>>) target(%dma_start3A_179 : memref<4096xf32, #tpu.memory_space<hbm>>) target_semaphore(%arg24 : memref<!tpu.dma_semaphore, #tpu.memory_space<semaphore_mem>>)
      %mul3A_180 = arith.constant 4 : i32
      %mul3A_181 = arith.muli %mul3A_180, %scan3A_109 : i32
      %add3A_182 = arith.constant 1 : i32
      %add3A_183 = arith.addi %mul3A_181, %add3A_182 : i32
      %add3A_184 = arith.constant 4 : i32
      %add3A_185 = arith.addi %add3A_183, %add3A_184 : i32
      %min3A_186 = arith.constant 127 : i32
      %min3A_187 = arith.minsi %add3A_185, %min3A_186 : i32
      %get3A_188 = arith.index_cast %min3A_187 : i32 to index
      %get3A_189 = memref.load %arg18[%get3A_188] : memref<128xi32, #tpu.memory_space<smem>>
      %dma_start3A_190 = arith.constant 0 : i32
      %dma_start3A_191 = tpu.memref_slice %arg2[%get3A_189, %dma_start3A_190] : memref<8192x8192xf32, #tpu.memory_space<hbm>> -> memref<1x8192xf32, #tpu.memory_space<hbm>>
      %dma_start3A_192 = tpu.memref_squeeze %dma_start3A_191 : memref<1x8192xf32, #tpu.memory_space<hbm>> -> memref<8192xf32, #tpu.memory_space<hbm>>
      %dma_start3A_193 = arith.constant 0 : i32
      %dma_start3A_194 = tpu.memref_slice %arg2[%get3A_189, %dma_start3A_193] : memref<8192x8192xf32, #tpu.memory_space<hbm>> -> memref<1x8192xf32, #tpu.memory_space<hbm>>
      %dma_start3A_195 = tpu.memref_squeeze %dma_start3A_194 : memref<1x8192xf32, #tpu.memory_space<hbm>> -> memref<8192xf32, #tpu.memory_space<hbm>>
      tpu.enqueue_dma source(%dma_start3A_195 : memref<8192xf32, #tpu.memory_space<hbm>>) target(%arg10 : memref<8192xf32, #tpu.memory_space<vmem>>) target_semaphore(%arg20 : memref<!tpu.dma_semaphore, #tpu.memory_space<semaphore_mem>>)
      %mul3A_196 = arith.constant 4 : i32
      %mul3A_197 = arith.muli %mul3A_196, %scan3A_109 : i32
      %add3A_198 = arith.constant 2 : i32
      %add3A_199 = arith.addi %mul3A_197, %add3A_198 : i32
      %dma_wait3A_200 = arith.constant 0 : i32
      %dma_wait3A_201 = arith.constant 0 : i32
      %dma_wait3A_202 = tpu.memref_slice %arg2[%dma_wait3A_200, %dma_wait3A_201] : memref<8192x8192xf32, #tpu.memory_space<hbm>> -> memref<1x8192xf32, #tpu.memory_space<hbm>>
      %dma_wait3A_203 = tpu.memref_squeeze %dma_wait3A_202 : memref<1x8192xf32, #tpu.memory_space<hbm>> -> memref<8192xf32, #tpu.memory_space<hbm>>
      %dma_wait3A_204 = arith.constant 0 : i32
      %dma_wait3A_205 = tpu.memref_slice %arg2[%dma_wait3A_200, %dma_wait3A_204] : memref<8192x8192xf32, #tpu.memory_space<hbm>> -> memref<1x8192xf32, #tpu.memory_space<hbm>>
      %dma_wait3A_206 = tpu.memref_squeeze %dma_wait3A_205 : memref<1x8192xf32, #tpu.memory_space<hbm>> -> memref<8192xf32, #tpu.memory_space<hbm>>
      tpu.wait_dma2 semaphore(%arg21 : memref<!tpu.dma_semaphore, #tpu.memory_space<semaphore_mem>>) src(%dma_wait3A_206 : memref<8192xf32, #tpu.memory_space<hbm>>) dst(%arg11 : memref<8192xf32, #tpu.memory_space<vmem>>)
      %gt3A_207 = arith.constant 0 : i32
      %gt3A_208 = arith.cmpi sgt, %scan3A_109, %gt3A_207 : i32
      %convert_element_type3A_209 = arith.extui %gt3A_208 : i1 to i32
      %cond3A_210 = arith.constant 0 : i32
      %cond3A_211 = arith.cmpi ne, %convert_element_type3A_209, %cond3A_210 : i32
      scf.if %cond3A_211 {
        %dma_wait3A_286 = arith.constant 0 : i32
        %dma_wait3A_287 = arith.constant 0 : i32
        %dma_wait3A_288 = tpu.memref_slice %arg5[%dma_wait3A_286, %dma_wait3A_287] : memref<4096x4096xf32, #tpu.memory_space<hbm>> -> memref<1x4096xf32, #tpu.memory_space<hbm>>
        %dma_wait3A_289 = tpu.memref_squeeze %dma_wait3A_288 : memref<1x4096xf32, #tpu.memory_space<hbm>> -> memref<4096xf32, #tpu.memory_space<hbm>>
        %dma_wait3A_290 = arith.constant 0 : i32
        %dma_wait3A_291 = tpu.memref_slice %arg5[%dma_wait3A_286, %dma_wait3A_290] : memref<4096x4096xf32, #tpu.memory_space<hbm>> -> memref<1x4096xf32, #tpu.memory_space<hbm>>
        %dma_wait3A_292 = tpu.memref_squeeze %dma_wait3A_291 : memref<1x4096xf32, #tpu.memory_space<hbm>> -> memref<4096xf32, #tpu.memory_space<hbm>>
        tpu.wait_dma2 semaphore(%arg25 : memref<!tpu.dma_semaphore, #tpu.memory_space<semaphore_mem>>) src(%arg15 : memref<4096xf32, #tpu.memory_space<vmem>>) dst(%dma_wait3A_292 : memref<4096xf32, #tpu.memory_space<hbm>>)
      } else {
      }
      %scan3A_212 = arith.constant 0 : i32
      %scan3A_213 = arith.constant 0 : i32
      %scan3A_214 = arith.constant 256 : i32
      %scan3A_215 = arith.addi %scan3A_213, %scan3A_214 : i32
      %scan3A_216 = arith.constant 8 : i32
      scf.for %scan3A_286 = %scan3A_213 to %scan3A_215 step %scan3A_216  : i32 {
        %mul3A_287 = arith.constant 16 : i32
        %mul3A_288 = arith.muli %scan3A_286, %mul3A_287 : i32
        %get3A_289 = arith.index_cast %mul3A_288 : i32 to index
        %get3A_290 = tpu.vector_load %arg7[%get3A_289] {strides = array<i32>} : memref<4096xi32, #tpu.memory_space<vmem>>, vector<16xi32>,
        %gather3A = tpu.vector_load_idx %arg11[%get3A_290] : memref<8192xf32, #tpu.memory_space<vmem>>[vector<16xi32>], vector<16xf32>,
        %mul3A_291 = arith.constant 16 : i32
        %mul3A_292 = arith.muli %scan3A_286, %mul3A_291 : i32
        %swap3A = arith.index_cast %mul3A_292 : i32 to index
        %swap3A_293 = tpu.vector_load %arg15[%swap3A] {strides = array<i32>} : memref<4096xf32, #tpu.memory_space<vmem>>, vector<16xf32>,
        tpu.vector_store %arg15[%swap3A], %gather3A {strides = array<i32>} : memref<4096xf32, #tpu.memory_space<vmem>>, vector<16xf32>,
        %scan3A_294 = arith.constant 1 : i32
        %scan3A_295 = arith.addi %scan3A_286, %scan3A_294 : i32
        %mul3A_296 = arith.constant 16 : i32
        %mul3A_297 = arith.muli %scan3A_295, %mul3A_296 : i32
        %get3A_298 = arith.index_cast %mul3A_297 : i32 to index
        %get3A_299 = tpu.vector_load %arg7[%get3A_298] {strides = array<i32>} : memref<4096xi32, #tpu.memory_space<vmem>>, vector<16xi32>,
        %gather3A_300 = tpu.vector_load_idx %arg11[%get3A_299] : memref<8192xf32, #tpu.memory_space<vmem>>[vector<16xi32>], vector<16xf32>,
        %mul3A_301 = arith.constant 16 : i32
        %mul3A_302 = arith.muli %scan3A_295, %mul3A_301 : i32
        %swap3A_303 = arith.index_cast %mul3A_302 : i32 to index
        %swap3A_304 = tpu.vector_load %arg15[%swap3A_303] {strides = array<i32>} : memref<4096xf32, #tpu.memory_space<vmem>>, vector<16xf32>,
        tpu.vector_store %arg15[%swap3A_303], %gather3A_300 {strides = array<i32>} : memref<4096xf32, #tpu.memory_space<vmem>>, vector<16xf32>,
        %scan3A_305 = arith.constant 2 : i32
        %scan3A_306 = arith.addi %scan3A_286, %scan3A_305 : i32
        %mul3A_307 = arith.constant 16 : i32
        %mul3A_308 = arith.muli %scan3A_306, %mul3A_307 : i32
        %get3A_309 = arith.index_cast %mul3A_308 : i32 to index
        %get3A_310 = tpu.vector_load %arg7[%get3A_309] {strides = array<i32>} : memref<4096xi32, #tpu.memory_space<vmem>>, vector<16xi32>,
        %gather3A_311 = tpu.vector_load_idx %arg11[%get3A_310] : memref<8192xf32, #tpu.memory_space<vmem>>[vector<16xi32>], vector<16xf32>,
        %mul3A_312 = arith.constant 16 : i32
        %mul3A_313 = arith.muli %scan3A_306, %mul3A_312 : i32
        %swap3A_314 = arith.index_cast %mul3A_313 : i32 to index
        %swap3A_315 = tpu.vector_load %arg15[%swap3A_314] {strides = array<i32>} : memref<4096xf32, #tpu.memory_space<vmem>>, vector<16xf32>,
        tpu.vector_store %arg15[%swap3A_314], %gather3A_311 {strides = array<i32>} : memref<4096xf32, #tpu.memory_space<vmem>>, vector<16xf32>,
        %scan3A_316 = arith.constant 3 : i32
        %scan3A_317 = arith.addi %scan3A_286, %scan3A_316 : i32
        %mul3A_318 = arith.constant 16 : i32
        %mul3A_319 = arith.muli %scan3A_317, %mul3A_318 : i32
        %get3A_320 = arith.index_cast %mul3A_319 : i32 to index
        %get3A_321 = tpu.vector_load %arg7[%get3A_320] {strides = array<i32>} : memref<4096xi32, #tpu.memory_space<vmem>>, vector<16xi32>,
        %gather3A_322 = tpu.vector_load_idx %arg11[%get3A_321] : memref<8192xf32, #tpu.memory_space<vmem>>[vector<16xi32>], vector<16xf32>,
        %mul3A_323 = arith.constant 16 : i32
        %mul3A_324 = arith.muli %scan3A_317, %mul3A_323 : i32
        %swap3A_325 = arith.index_cast %mul3A_324 : i32 to index
        %swap3A_326 = tpu.vector_load %arg15[%swap3A_325] {strides = array<i32>} : memref<4096xf32, #tpu.memory_space<vmem>>, vector<16xf32>,
        tpu.vector_store %arg15[%swap3A_325], %gather3A_322 {strides = array<i32>} : memref<4096xf32, #tpu.memory_space<vmem>>, vector<16xf32>,
        %scan3A_327 = arith.constant 4 : i32
        %scan3A_328 = arith.addi %scan3A_286, %scan3A_327 : i32
        %mul3A_329 = arith.constant 16 : i32
        %mul3A_330 = arith.muli %scan3A_328, %mul3A_329 : i32
        %get3A_331 = arith.index_cast %mul3A_330 : i32 to index
        %get3A_332 = tpu.vector_load %arg7[%get3A_331] {strides = array<i32>} : memref<4096xi32, #tpu.memory_space<vmem>>, vector<16xi32>,
        %gather3A_333 = tpu.vector_load_idx %arg11[%get3A_332] : memref<8192xf32, #tpu.memory_space<vmem>>[vector<16xi32>], vector<16xf32>,
        %mul3A_334 = arith.constant 16 : i32
        %mul3A_335 = arith.muli %scan3A_328, %mul3A_334 : i32
        %swap3A_336 = arith.index_cast %mul3A_335 : i32 to index
        %swap3A_337 = tpu.vector_load %arg15[%swap3A_336] {strides = array<i32>} : memref<4096xf32, #tpu.memory_space<vmem>>, vector<16xf32>,
        tpu.vector_store %arg15[%swap3A_336], %gather3A_333 {strides = array<i32>} : memref<4096xf32, #tpu.memory_space<vmem>>, vector<16xf32>,
        %scan3A_338 = arith.constant 5 : i32
        %scan3A_339 = arith.addi %scan3A_286, %scan3A_338 : i32
        %mul3A_340 = arith.constant 16 : i32
        %mul3A_341 = arith.muli %scan3A_339, %mul3A_340 : i32
        %get3A_342 = arith.index_cast %mul3A_341 : i32 to index
        %get3A_343 = tpu.vector_load %arg7[%get3A_342] {strides = array<i32>} : memref<4096xi32, #tpu.memory_space<vmem>>, vector<16xi32>,
        %gather3A_344 = tpu.vector_load_idx %arg11[%get3A_343] : memref<8192xf32, #tpu.memory_space<vmem>>[vector<16xi32>], vector<16xf32>,
        %mul3A_345 = arith.constant 16 : i32
        %mul3A_346 = arith.muli %scan3A_339, %mul3A_345 : i32
        %swap3A_347 = arith.index_cast %mul3A_346 : i32 to index
        %swap3A_348 = tpu.vector_load %arg15[%swap3A_347] {strides = array<i32>} : memref<4096xf32, #tpu.memory_space<vmem>>, vector<16xf32>,
        tpu.vector_store %arg15[%swap3A_347], %gather3A_344 {strides = array<i32>} : memref<4096xf32, #tpu.memory_space<vmem>>, vector<16xf32>,
        %scan3A_349 = arith.constant 6 : i32
        %scan3A_350 = arith.addi %scan3A_286, %scan3A_349 : i32
        %mul3A_351 = arith.constant 16 : i32
        %mul3A_352 = arith.muli %scan3A_350, %mul3A_351 : i32
        %get3A_353 = arith.index_cast %mul3A_352 : i32 to index
        %get3A_354 = tpu.vector_load %arg7[%get3A_353] {strides = array<i32>} : memref<4096xi32, #tpu.memory_space<vmem>>, vector<16xi32>,
        %gather3A_355 = tpu.vector_load_idx %arg11[%get3A_354] : memref<8192xf32, #tpu.memory_space<vmem>>[vector<16xi32>], vector<16xf32>,
        %mul3A_356 = arith.constant 16 : i32
        %mul3A_357 = arith.muli %scan3A_350, %mul3A_356 : i32
        %swap3A_358 = arith.index_cast %mul3A_357 : i32 to index
        %swap3A_359 = tpu.vector_load %arg15[%swap3A_358] {strides = array<i32>} : memref<4096xf32, #tpu.memory_space<vmem>>, vector<16xf32>,
        tpu.vector_store %arg15[%swap3A_358], %gather3A_355 {strides = array<i32>} : memref<4096xf32, #tpu.memory_space<vmem>>, vector<16xf32>,
        %scan3A_360 = arith.constant 7 : i32
        %scan3A_361 = arith.addi %scan3A_286, %scan3A_360 : i32
        %mul3A_362 = arith.constant 16 : i32
        %mul3A_363 = arith.muli %scan3A_361, %mul3A_362 : i32
        %get3A_364 = arith.index_cast %mul3A_363 : i32 to index
        %get3A_365 = tpu.vector_load %arg7[%get3A_364] {strides = array<i32>} : memref<4096xi32, #tpu.memory_space<vmem>>, vector<16xi32>,
        %gather3A_366 = tpu.vector_load_idx %arg11[%get3A_365] : memref<8192xf32, #tpu.memory_space<vmem>>[vector<16xi32>], vector<16xf32>,
        %mul3A_367 = arith.constant 16 : i32
        %mul3A_368 = arith.muli %scan3A_361, %mul3A_367 : i32
        %swap3A_369 = arith.index_cast %mul3A_368 : i32 to index
        %swap3A_370 = tpu.vector_load %arg15[%swap3A_369] {strides = array<i32>} : memref<4096xf32, #tpu.memory_space<vmem>>, vector<16xf32>,
        tpu.vector_store %arg15[%swap3A_369], %gather3A_366 {strides = array<i32>} : memref<4096xf32, #tpu.memory_space<vmem>>, vector<16xf32>,
      }
      %scan3A_217 = arith.constant 256 : i32
      %add3A_218 = arith.addi %mul3A_2, %add3A_199 : i32
      %dma_start3A_219 = arith.constant 0 : i32
      %dma_start3A_220 = tpu.memref_slice %arg5[%add3A_218, %dma_start3A_219] : memref<4096x4096xf32, #tpu.memory_space<hbm>> -> memref<1x4096xf32, #tpu.memory_space<hbm>>
      %dma_start3A_221 = tpu.memref_squeeze %dma_start3A_220 : memref<1x4096xf32, #tpu.memory_space<hbm>> -> memref<4096xf32, #tpu.memory_space<hbm>>
      %dma_start3A_222 = arith.constant 0 : i32
      %dma_start3A_223 = tpu.memref_slice %arg5[%add3A_218, %dma_start3A_222] : memref<4096x4096xf32, #tpu.memory_space<hbm>> -> memref<1x4096xf32, #tpu.memory_space<hbm>>
      %dma_start3A_224 = tpu.memref_squeeze %dma_start3A_223 : memref<1x4096xf32, #tpu.memory_space<hbm>> -> memref<4096xf32, #tpu.memory_space<hbm>>
      tpu.enqueue_dma source(%arg15 : memref<4096xf32, #tpu.memory_space<vmem>>) target(%dma_start3A_224 : memref<4096xf32, #tpu.memory_space<hbm>>) target_semaphore(%arg25 : memref<!tpu.dma_semaphore, #tpu.memory_space<semaphore_mem>>)
      %mul3A_225 = arith.constant 4 : i32
      %mul3A_226 = arith.muli %mul3A_225, %scan3A_109 : i32
      %add3A_227 = arith.constant 2 : i32
      %add3A_228 = arith.addi %mul3A_226, %add3A_227 : i32
      %add3A_229 = arith.constant 4 : i32
      %add3A_230 = arith.addi %add3A_228, %add3A_229 : i32
      %min3A_231 = arith.constant 127 : i32
      %min3A_232 = arith.minsi %add3A_230, %min3A_231 : i32
      %get3A_233 = arith.index_cast %min3A_232 : i32 to index
      %get3A_234 = memref.load %arg18[%get3A_233] : memref<128xi32, #tpu.memory_space<smem>>
      %dma_start3A_235 = arith.constant 0 : i32
      %dma_start3A_236 = tpu.memref_slice %arg2[%get3A_234, %dma_start3A_235] : memref<8192x8192xf32, #tpu.memory_space<hbm>> -> memref<1x8192xf32, #tpu.memory_space<hbm>>
      %dma_start3A_237 = tpu.memref_squeeze %dma_start3A_236 : memref<1x8192xf32, #tpu.memory_space<hbm>> -> memref<8192xf32, #tpu.memory_space<hbm>>
      %dma_start3A_238 = arith.constant 0 : i32
      %dma_start3A_239 = tpu.memref_slice %arg2[%get3A_234, %dma_start3A_238] : memref<8192x8192xf32, #tpu.memory_space<hbm>> -> memref<1x8192xf32, #tpu.memory_space<hbm>>
      %dma_start3A_240 = tpu.memref_squeeze %dma_start3A_239 : memref<1x8192xf32, #tpu.memory_space<hbm>> -> memref<8192xf32, #tpu.memory_space<hbm>>
      tpu.enqueue_dma source(%dma_start3A_240 : memref<8192xf32, #tpu.memory_space<hbm>>) target(%arg11 : memref<8192xf32, #tpu.memory_space<vmem>>) target_semaphore(%arg21 : memref<!tpu.dma_semaphore, #tpu.memory_space<semaphore_mem>>)
      %mul3A_241 = arith.constant 4 : i32
      %mul3A_242 = arith.muli %mul3A_241, %scan3A_109 : i32
      %add3A_243 = arith.constant 3 : i32
      %add3A_244 = arith.addi %mul3A_242, %add3A_243 : i32
      %dma_wait3A_245 = arith.constant 0 : i32
      %dma_wait3A_246 = arith.constant 0 : i32
      %dma_wait3A_247 = tpu.memref_slice %arg2[%dma_wait3A_245, %dma_wait3A_246] : memref<8192x8192xf32, #tpu.memory_space<hbm>> -> memref<1x8192xf32, #tpu.memory_space<hbm>>
      %dma_wait3A_248 = tpu.memref_squeeze %dma_wait3A_247 : memref<1x8192xf32, #tpu.memory_space<hbm>> -> memref<8192xf32, #tpu.memory_space<hbm>>
      %dma_wait3A_249 = arith.constant 0 : i32
      %dma_wait3A_250 = tpu.memref_slice %arg2[%dma_wait3A_245, %dma_wait3A_249] : memref<8192x8192xf32, #tpu.memory_space<hbm>> -> memref<1x8192xf32, #tpu.memory_space<hbm>>
      %dma_wait3A_251 = tpu.memref_squeeze %dma_wait3A_250 : memref<1x8192xf32, #tpu.memory_space<hbm>> -> memref<8192xf32, #tpu.memory_space<hbm>>
      tpu.wait_dma2 semaphore(%arg22 : memref<!tpu.dma_semaphore, #tpu.memory_space<semaphore_mem>>) src(%dma_wait3A_251 : memref<8192xf32, #tpu.memory_space<hbm>>) dst(%arg12 : memref<8192xf32, #tpu.memory_space<vmem>>)
      %gt3A_252 = arith.constant 0 : i32
      %gt3A_253 = arith.cmpi sgt, %scan3A_109, %gt3A_252 : i32
      %convert_element_type3A_254 = arith.extui %gt3A_253 : i1 to i32
      %cond3A_255 = arith.constant 0 : i32
      %cond3A_256 = arith.cmpi ne, %convert_element_type3A_254, %cond3A_255 : i32
      scf.if %cond3A_256 {
        %dma_wait3A_286 = arith.constant 0 : i32
        %dma_wait3A_287 = arith.constant 0 : i32
        %dma_wait3A_288 = tpu.memref_slice %arg5[%dma_wait3A_286, %dma_wait3A_287] : memref<4096x4096xf32, #tpu.memory_space<hbm>> -> memref<1x4096xf32, #tpu.memory_space<hbm>>
        %dma_wait3A_289 = tpu.memref_squeeze %dma_wait3A_288 : memref<1x4096xf32, #tpu.memory_space<hbm>> -> memref<4096xf32, #tpu.memory_space<hbm>>
        %dma_wait3A_290 = arith.constant 0 : i32
        %dma_wait3A_291 = tpu.memref_slice %arg5[%dma_wait3A_286, %dma_wait3A_290] : memref<4096x4096xf32, #tpu.memory_space<hbm>> -> memref<1x4096xf32, #tpu.memory_space<hbm>>
        %dma_wait3A_292 = tpu.memref_squeeze %dma_wait3A_291 : memref<1x4096xf32, #tpu.memory_space<hbm>> -> memref<4096xf32, #tpu.memory_space<hbm>>
        tpu.wait_dma2 semaphore(%arg26 : memref<!tpu.dma_semaphore, #tpu.memory_space<semaphore_mem>>) src(%arg16 : memref<4096xf32, #tpu.memory_space<vmem>>) dst(%dma_wait3A_292 : memref<4096xf32, #tpu.memory_space<hbm>>)
      } else {
      }
      %scan3A_257 = arith.constant 0 : i32
      %scan3A_258 = arith.constant 0 : i32
      %scan3A_259 = arith.constant 256 : i32
      %scan3A_260 = arith.addi %scan3A_258, %scan3A_259 : i32
      %scan3A_261 = arith.constant 8 : i32
      scf.for %scan3A_286 = %scan3A_258 to %scan3A_260 step %scan3A_261  : i32 {
        %mul3A_287 = arith.constant 16 : i32
        %mul3A_288 = arith.muli %scan3A_286, %mul3A_287 : i32
        %get3A_289 = arith.index_cast %mul3A_288 : i32 to index
        %get3A_290 = tpu.vector_load %arg7[%get3A_289] {strides = array<i32>} : memref<4096xi32, #tpu.memory_space<vmem>>, vector<16xi32>,
        %gather3A = tpu.vector_load_idx %arg12[%get3A_290] : memref<8192xf32, #tpu.memory_space<vmem>>[vector<16xi32>], vector<16xf32>,
        %mul3A_291 = arith.constant 16 : i32
        %mul3A_292 = arith.muli %scan3A_286, %mul3A_291 : i32
        %swap3A = arith.index_cast %mul3A_292 : i32 to index
        %swap3A_293 = tpu.vector_load %arg16[%swap3A] {strides = array<i32>} : memref<4096xf32, #tpu.memory_space<vmem>>, vector<16xf32>,
        tpu.vector_store %arg16[%swap3A], %gather3A {strides = array<i32>} : memref<4096xf32, #tpu.memory_space<vmem>>, vector<16xf32>,
        %scan3A_294 = arith.constant 1 : i32
        %scan3A_295 = arith.addi %scan3A_286, %scan3A_294 : i32
        %mul3A_296 = arith.constant 16 : i32
        %mul3A_297 = arith.muli %scan3A_295, %mul3A_296 : i32
        %get3A_298 = arith.index_cast %mul3A_297 : i32 to index
        %get3A_299 = tpu.vector_load %arg7[%get3A_298] {strides = array<i32>} : memref<4096xi32, #tpu.memory_space<vmem>>, vector<16xi32>,
        %gather3A_300 = tpu.vector_load_idx %arg12[%get3A_299] : memref<8192xf32, #tpu.memory_space<vmem>>[vector<16xi32>], vector<16xf32>,
        %mul3A_301 = arith.constant 16 : i32
        %mul3A_302 = arith.muli %scan3A_295, %mul3A_301 : i32
        %swap3A_303 = arith.index_cast %mul3A_302 : i32 to index
        %swap3A_304 = tpu.vector_load %arg16[%swap3A_303] {strides = array<i32>} : memref<4096xf32, #tpu.memory_space<vmem>>, vector<16xf32>,
        tpu.vector_store %arg16[%swap3A_303], %gather3A_300 {strides = array<i32>} : memref<4096xf32, #tpu.memory_space<vmem>>, vector<16xf32>,
        %scan3A_305 = arith.constant 2 : i32
        %scan3A_306 = arith.addi %scan3A_286, %scan3A_305 : i32
        %mul3A_307 = arith.constant 16 : i32
        %mul3A_308 = arith.muli %scan3A_306, %mul3A_307 : i32
        %get3A_309 = arith.index_cast %mul3A_308 : i32 to index
        %get3A_310 = tpu.vector_load %arg7[%get3A_309] {strides = array<i32>} : memref<4096xi32, #tpu.memory_space<vmem>>, vector<16xi32>,
        %gather3A_311 = tpu.vector_load_idx %arg12[%get3A_310] : memref<8192xf32, #tpu.memory_space<vmem>>[vector<16xi32>], vector<16xf32>,
        %mul3A_312 = arith.constant 16 : i32
        %mul3A_313 = arith.muli %scan3A_306, %mul3A_312 : i32
        %swap3A_314 = arith.index_cast %mul3A_313 : i32 to index
        %swap3A_315 = tpu.vector_load %arg16[%swap3A_314] {strides = array<i32>} : memref<4096xf32, #tpu.memory_space<vmem>>, vector<16xf32>,
        tpu.vector_store %arg16[%swap3A_314], %gather3A_311 {strides = array<i32>} : memref<4096xf32, #tpu.memory_space<vmem>>, vector<16xf32>,
        %scan3A_316 = arith.constant 3 : i32
        %scan3A_317 = arith.addi %scan3A_286, %scan3A_316 : i32
        %mul3A_318 = arith.constant 16 : i32
        %mul3A_319 = arith.muli %scan3A_317, %mul3A_318 : i32
        %get3A_320 = arith.index_cast %mul3A_319 : i32 to index
        %get3A_321 = tpu.vector_load %arg7[%get3A_320] {strides = array<i32>} : memref<4096xi32, #tpu.memory_space<vmem>>, vector<16xi32>,
        %gather3A_322 = tpu.vector_load_idx %arg12[%get3A_321] : memref<8192xf32, #tpu.memory_space<vmem>>[vector<16xi32>], vector<16xf32>,
        %mul3A_323 = arith.constant 16 : i32
        %mul3A_324 = arith.muli %scan3A_317, %mul3A_323 : i32
        %swap3A_325 = arith.index_cast %mul3A_324 : i32 to index
        %swap3A_326 = tpu.vector_load %arg16[%swap3A_325] {strides = array<i32>} : memref<4096xf32, #tpu.memory_space<vmem>>, vector<16xf32>,
        tpu.vector_store %arg16[%swap3A_325], %gather3A_322 {strides = array<i32>} : memref<4096xf32, #tpu.memory_space<vmem>>, vector<16xf32>,
        %scan3A_327 = arith.constant 4 : i32
        %scan3A_328 = arith.addi %scan3A_286, %scan3A_327 : i32
        %mul3A_329 = arith.constant 16 : i32
        %mul3A_330 = arith.muli %scan3A_328, %mul3A_329 : i32
        %get3A_331 = arith.index_cast %mul3A_330 : i32 to index
        %get3A_332 = tpu.vector_load %arg7[%get3A_331] {strides = array<i32>} : memref<4096xi32, #tpu.memory_space<vmem>>, vector<16xi32>,
        %gather3A_333 = tpu.vector_load_idx %arg12[%get3A_332] : memref<8192xf32, #tpu.memory_space<vmem>>[vector<16xi32>], vector<16xf32>,
        %mul3A_334 = arith.constant 16 : i32
        %mul3A_335 = arith.muli %scan3A_328, %mul3A_334 : i32
        %swap3A_336 = arith.index_cast %mul3A_335 : i32 to index
        %swap3A_337 = tpu.vector_load %arg16[%swap3A_336] {strides = array<i32>} : memref<4096xf32, #tpu.memory_space<vmem>>, vector<16xf32>,
        tpu.vector_store %arg16[%swap3A_336], %gather3A_333 {strides = array<i32>} : memref<4096xf32, #tpu.memory_space<vmem>>, vector<16xf32>,
        %scan3A_338 = arith.constant 5 : i32
        %scan3A_339 = arith.addi %scan3A_286, %scan3A_338 : i32
        %mul3A_340 = arith.constant 16 : i32
        %mul3A_341 = arith.muli %scan3A_339, %mul3A_340 : i32
        %get3A_342 = arith.index_cast %mul3A_341 : i32 to index
        %get3A_343 = tpu.vector_load %arg7[%get3A_342] {strides = array<i32>} : memref<4096xi32, #tpu.memory_space<vmem>>, vector<16xi32>,
        %gather3A_344 = tpu.vector_load_idx %arg12[%get3A_343] : memref<8192xf32, #tpu.memory_space<vmem>>[vector<16xi32>], vector<16xf32>,
        %mul3A_345 = arith.constant 16 : i32
        %mul3A_346 = arith.muli %scan3A_339, %mul3A_345 : i32
        %swap3A_347 = arith.index_cast %mul3A_346 : i32 to index
        %swap3A_348 = tpu.vector_load %arg16[%swap3A_347] {strides = array<i32>} : memref<4096xf32, #tpu.memory_space<vmem>>, vector<16xf32>,
        tpu.vector_store %arg16[%swap3A_347], %gather3A_344 {strides = array<i32>} : memref<4096xf32, #tpu.memory_space<vmem>>, vector<16xf32>,
        %scan3A_349 = arith.constant 6 : i32
        %scan3A_350 = arith.addi %scan3A_286, %scan3A_349 : i32
        %mul3A_351 = arith.constant 16 : i32
        %mul3A_352 = arith.muli %scan3A_350, %mul3A_351 : i32
        %get3A_353 = arith.index_cast %mul3A_352 : i32 to index
        %get3A_354 = tpu.vector_load %arg7[%get3A_353] {strides = array<i32>} : memref<4096xi32, #tpu.memory_space<vmem>>, vector<16xi32>,
        %gather3A_355 = tpu.vector_load_idx %arg12[%get3A_354] : memref<8192xf32, #tpu.memory_space<vmem>>[vector<16xi32>], vector<16xf32>,
        %mul3A_356 = arith.constant 16 : i32
        %mul3A_357 = arith.muli %scan3A_350, %mul3A_356 : i32
        %swap3A_358 = arith.index_cast %mul3A_357 : i32 to index
        %swap3A_359 = tpu.vector_load %arg16[%swap3A_358] {strides = array<i32>} : memref<4096xf32, #tpu.memory_space<vmem>>, vector<16xf32>,
        tpu.vector_store %arg16[%swap3A_358], %gather3A_355 {strides = array<i32>} : memref<4096xf32, #tpu.memory_space<vmem>>, vector<16xf32>,
        %scan3A_360 = arith.constant 7 : i32
        %scan3A_361 = arith.addi %scan3A_286, %scan3A_360 : i32
        %mul3A_362 = arith.constant 16 : i32
        %mul3A_363 = arith.muli %scan3A_361, %mul3A_362 : i32
        %get3A_364 = arith.index_cast %mul3A_363 : i32 to index
        %get3A_365 = tpu.vector_load %arg7[%get3A_364] {strides = array<i32>} : memref<4096xi32, #tpu.memory_space<vmem>>, vector<16xi32>,
        %gather3A_366 = tpu.vector_load_idx %arg12[%get3A_365] : memref<8192xf32, #tpu.memory_space<vmem>>[vector<16xi32>], vector<16xf32>,
        %mul3A_367 = arith.constant 16 : i32
        %mul3A_368 = arith.muli %scan3A_361, %mul3A_367 : i32
        %swap3A_369 = arith.index_cast %mul3A_368 : i32 to index
        %swap3A_370 = tpu.vector_load %arg16[%swap3A_369] {strides = array<i32>} : memref<4096xf32, #tpu.memory_space<vmem>>, vector<16xf32>,
        tpu.vector_store %arg16[%swap3A_369], %gather3A_366 {strides = array<i32>} : memref<4096xf32, #tpu.memory_space<vmem>>, vector<16xf32>,
      }
      %scan3A_262 = arith.constant 256 : i32
      %add3A_263 = arith.addi %mul3A_2, %add3A_244 : i32
      %dma_start3A_264 = arith.constant 0 : i32
      %dma_start3A_265 = tpu.memref_slice %arg5[%add3A_263, %dma_start3A_264] : memref<4096x4096xf32, #tpu.memory_space<hbm>> -> memref<1x4096xf32, #tpu.memory_space<hbm>>
      %dma_start3A_266 = tpu.memref_squeeze %dma_start3A_265 : memref<1x4096xf32, #tpu.memory_space<hbm>> -> memref<4096xf32, #tpu.memory_space<hbm>>
      %dma_start3A_267 = arith.constant 0 : i32
      %dma_start3A_268 = tpu.memref_slice %arg5[%add3A_263, %dma_start3A_267] : memref<4096x4096xf32, #tpu.memory_space<hbm>> -> memref<1x4096xf32, #tpu.memory_space<hbm>>
      %dma_start3A_269 = tpu.memref_squeeze %dma_start3A_268 : memref<1x4096xf32, #tpu.memory_space<hbm>> -> memref<4096xf32, #tpu.memory_space<hbm>>
      tpu.enqueue_dma source(%arg16 : memref<4096xf32, #tpu.memory_space<vmem>>) target(%dma_start3A_269 : memref<4096xf32, #tpu.memory_space<hbm>>) target_semaphore(%arg26 : memref<!tpu.dma_semaphore, #tpu.memory_space<semaphore_mem>>)
      %mul3A_270 = arith.constant 4 : i32
      %mul3A_271 = arith.muli %mul3A_270, %scan3A_109 : i32
      %add3A_272 = arith.constant 3 : i32
      %add3A_273 = arith.addi %mul3A_271, %add3A_272 : i32
      %add3A_274 = arith.constant 4 : i32
      %add3A_275 = arith.addi %add3A_273, %add3A_274 : i32
      %min3A_276 = arith.constant 127 : i32
      %min3A_277 = arith.minsi %add3A_275, %min3A_276 : i32
      %get3A_278 = arith.index_cast %min3A_277 : i32 to index
      %get3A_279 = memref.load %arg18[%get3A_278] : memref<128xi32, #tpu.memory_space<smem>>
      %dma_start3A_280 = arith.constant 0 : i32
      %dma_start3A_281 = tpu.memref_slice %arg2[%get3A_279, %dma_start3A_280] : memref<8192x8192xf32, #tpu.memory_space<hbm>> -> memref<1x8192xf32, #tpu.memory_space<hbm>>
      %dma_start3A_282 = tpu.memref_squeeze %dma_start3A_281 : memref<1x8192xf32, #tpu.memory_space<hbm>> -> memref<8192xf32, #tpu.memory_space<hbm>>
      %dma_start3A_283 = arith.constant 0 : i32
      %dma_start3A_284 = tpu.memref_slice %arg2[%get3A_279, %dma_start3A_283] : memref<8192x8192xf32, #tpu.memory_space<hbm>> -> memref<1x8192xf32, #tpu.memory_space<hbm>>
      %dma_start3A_285 = tpu.memref_squeeze %dma_start3A_284 : memref<1x8192xf32, #tpu.memory_space<hbm>> -> memref<8192xf32, #tpu.memory_space<hbm>>
      tpu.enqueue_dma source(%dma_start3A_285 : memref<8192xf32, #tpu.memory_space<hbm>>) target(%arg12 : memref<8192xf32, #tpu.memory_space<vmem>>) target_semaphore(%arg22 : memref<!tpu.dma_semaphore, #tpu.memory_space<semaphore_mem>>)
    }
    %scan3A_53 = arith.constant 32 : i32
    %dma_wait3A = arith.constant 0 : i32
    %dma_wait3A_54 = arith.constant 0 : i32
    %dma_wait3A_55 = tpu.memref_slice %arg2[%dma_wait3A, %dma_wait3A_54] : memref<8192x8192xf32, #tpu.memory_space<hbm>> -> memref<1x8192xf32, #tpu.memory_space<hbm>>
    %dma_wait3A_56 = tpu.memref_squeeze %dma_wait3A_55 : memref<1x8192xf32, #tpu.memory_space<hbm>> -> memref<8192xf32, #tpu.memory_space<hbm>>
    %dma_wait3A_57 = arith.constant 0 : i32
    %dma_wait3A_58 = tpu.memref_slice %arg2[%dma_wait3A, %dma_wait3A_57] : memref<8192x8192xf32, #tpu.memory_space<hbm>> -> memref<1x8192xf32, #tpu.memory_space<hbm>>
    %dma_wait3A_59 = tpu.memref_squeeze %dma_wait3A_58 : memref<1x8192xf32, #tpu.memory_space<hbm>> -> memref<8192xf32, #tpu.memory_space<hbm>>
    tpu.wait_dma2 semaphore(%arg19 : memref<!tpu.dma_semaphore, #tpu.memory_space<semaphore_mem>>) src(%dma_wait3A_59 : memref<8192xf32, #tpu.memory_space<hbm>>) dst(%arg9 : memref<8192xf32, #tpu.memory_space<vmem>>)
    %dma_wait3A_60 = arith.constant 0 : i32
    %dma_wait3A_61 = arith.constant 0 : i32
    %dma_wait3A_62 = tpu.memref_slice %arg5[%dma_wait3A_60, %dma_wait3A_61] : memref<4096x4096xf32, #tpu.memory_space<hbm>> -> memref<1x4096xf32, #tpu.memory_space<hbm>>
    %dma_wait3A_63 = tpu.memref_squeeze %dma_wait3A_62 : memref<1x4096xf32, #tpu.memory_space<hbm>> -> memref<4096xf32, #tpu.memory_space<hbm>>
    %dma_wait3A_64 = arith.constant 0 : i32
    %dma_wait3A_65 = tpu.memref_slice %arg5[%dma_wait3A_60, %dma_wait3A_64] : memref<4096x4096xf32, #tpu.memory_space<hbm>> -> memref<1x4096xf32, #tpu.memory_space<hbm>>
    %dma_wait3A_66 = tpu.memref_squeeze %dma_wait3A_65 : memref<1x4096xf32, #tpu.memory_space<hbm>> -> memref<4096xf32, #tpu.memory_space<hbm>>
    tpu.wait_dma2 semaphore(%arg23 : memref<!tpu.dma_semaphore, #tpu.memory_space<semaphore_mem>>) src(%arg13 : memref<4096xf32, #tpu.memory_space<vmem>>) dst(%dma_wait3A_66 : memref<4096xf32, #tpu.memory_space<hbm>>)
    %dma_wait3A_67 = arith.constant 0 : i32
    %dma_wait3A_68 = arith.constant 0 : i32
    %dma_wait3A_69 = tpu.memref_slice %arg2[%dma_wait3A_67, %dma_wait3A_68] : memref<8192x8192xf32, #tpu.memory_space<hbm>> -> memref<1x8192xf32, #tpu.memory_space<hbm>>
    %dma_wait3A_70 = tpu.memref_squeeze %dma_wait3A_69 : memref<1x8192xf32, #tpu.memory_space<hbm>> -> memref<8192xf32, #tpu.memory_space<hbm>>
    %dma_wait3A_71 = arith.constant 0 : i32
    %dma_wait3A_72 = tpu.memref_slice %arg2[%dma_wait3A_67, %dma_wait3A_71] : memref<8192x8192xf32, #tpu.memory_space<hbm>> -> memref<1x8192xf32, #tpu.memory_space<hbm>>
    %dma_wait3A_73 = tpu.memref_squeeze %dma_wait3A_72 : memref<1x8192xf32, #tpu.memory_space<hbm>> -> memref<8192xf32, #tpu.memory_space<hbm>>
    tpu.wait_dma2 semaphore(%arg20 : memref<!tpu.dma_semaphore, #tpu.memory_space<semaphore_mem>>) src(%dma_wait3A_73 : memref<8192xf32, #tpu.memory_space<hbm>>) dst(%arg10 : memref<8192xf32, #tpu.memory_space<vmem>>)
    %dma_wait3A_74 = arith.constant 0 : i32
    %dma_wait3A_75 = arith.constant 0 : i32
    %dma_wait3A_76 = tpu.memref_slice %arg5[%dma_wait3A_74, %dma_wait3A_75] : memref<4096x4096xf32, #tpu.memory_space<hbm>> -> memref<1x4096xf32, #tpu.memory_space<hbm>>
    %dma_wait3A_77 = tpu.memref_squeeze %dma_wait3A_76 : memref<1x4096xf32, #tpu.memory_space<hbm>> -> memref<4096xf32, #tpu.memory_space<hbm>>
    %dma_wait3A_78 = arith.constant 0 : i32
    %dma_wait3A_79 = tpu.memref_slice %arg5[%dma_wait3A_74, %dma_wait3A_78] : memref<4096x4096xf32, #tpu.memory_space<hbm>> -> memref<1x4096xf32, #tpu.memory_space<hbm>>
    %dma_wait3A_80 = tpu.memref_squeeze %dma_wait3A_79 : memref<1x4096xf32, #tpu.memory_space<hbm>> -> memref<4096xf32, #tpu.memory_space<hbm>>
    tpu.wait_dma2 semaphore(%arg24 : memref<!tpu.dma_semaphore, #tpu.memory_space<semaphore_mem>>) src(%arg14 : memref<4096xf32, #tpu.memory_space<vmem>>) dst(%dma_wait3A_80 : memref<4096xf32, #tpu.memory_space<hbm>>)
    %dma_wait3A_81 = arith.constant 0 : i32
    %dma_wait3A_82 = arith.constant 0 : i32
    %dma_wait3A_83 = tpu.memref_slice %arg2[%dma_wait3A_81, %dma_wait3A_82] : memref<8192x8192xf32, #tpu.memory_space<hbm>> -> memref<1x8192xf32, #tpu.memory_space<hbm>>
    %dma_wait3A_84 = tpu.memref_squeeze %dma_wait3A_83 : memref<1x8192xf32, #tpu.memory_space<hbm>> -> memref<8192xf32, #tpu.memory_space<hbm>>
    %dma_wait3A_85 = arith.constant 0 : i32
    %dma_wait3A_86 = tpu.memref_slice %arg2[%dma_wait3A_81, %dma_wait3A_85] : memref<8192x8192xf32, #tpu.memory_space<hbm>> -> memref<1x8192xf32, #tpu.memory_space<hbm>>
    %dma_wait3A_87 = tpu.memref_squeeze %dma_wait3A_86 : memref<1x8192xf32, #tpu.memory_space<hbm>> -> memref<8192xf32, #tpu.memory_space<hbm>>
    tpu.wait_dma2 semaphore(%arg21 : memref<!tpu.dma_semaphore, #tpu.memory_space<semaphore_mem>>) src(%dma_wait3A_87 : memref<8192xf32, #tpu.memory_space<hbm>>) dst(%arg11 : memref<8192xf32, #tpu.memory_space<vmem>>)
    %dma_wait3A_88 = arith.constant 0 : i32
    %dma_wait3A_89 = arith.constant 0 : i32
    %dma_wait3A_90 = tpu.memref_slice %arg5[%dma_wait3A_88, %dma_wait3A_89] : memref<4096x4096xf32, #tpu.memory_space<hbm>> -> memref<1x4096xf32, #tpu.memory_space<hbm>>
    %dma_wait3A_91 = tpu.memref_squeeze %dma_wait3A_90 : memref<1x4096xf32, #tpu.memory_space<hbm>> -> memref<4096xf32, #tpu.memory_space<hbm>>
    %dma_wait3A_92 = arith.constant 0 : i32
    %dma_wait3A_93 = tpu.memref_slice %arg5[%dma_wait3A_88, %dma_wait3A_92] : memref<4096x4096xf32, #tpu.memory_space<hbm>> -> memref<1x4096xf32, #tpu.memory_space<hbm>>
    %dma_wait3A_94 = tpu.memref_squeeze %dma_wait3A_93 : memref<1x4096xf32, #tpu.memory_space<hbm>> -> memref<4096xf32, #tpu.memory_space<hbm>>
    tpu.wait_dma2 semaphore(%arg25 : memref<!tpu.dma_semaphore, #tpu.memory_space<semaphore_mem>>) src(%arg15 : memref<4096xf32, #tpu.memory_space<vmem>>) dst(%dma_wait3A_94 : memref<4096xf32, #tpu.memory_space<hbm>>)
    %dma_wait3A_95 = arith.constant 0 : i32
    %dma_wait3A_96 = arith.constant 0 : i32
    %dma_wait3A_97 = tpu.memref_slice %arg2[%dma_wait3A_95, %dma_wait3A_96] : memref<8192x8192xf32, #tpu.memory_space<hbm>> -> memref<1x8192xf32, #tpu.memory_space<hbm>>
    %dma_wait3A_98 = tpu.memref_squeeze %dma_wait3A_97 : memref<1x8192xf32, #tpu.memory_space<hbm>> -> memref<8192xf32, #tpu.memory_space<hbm>>
    %dma_wait3A_99 = arith.constant 0 : i32
    %dma_wait3A_100 = tpu.memref_slice %arg2[%dma_wait3A_95, %dma_wait3A_99] : memref<8192x8192xf32, #tpu.memory_space<hbm>> -> memref<1x8192xf32, #tpu.memory_space<hbm>>
    %dma_wait3A_101 = tpu.memref_squeeze %dma_wait3A_100 : memref<1x8192xf32, #tpu.memory_space<hbm>> -> memref<8192xf32, #tpu.memory_space<hbm>>
    tpu.wait_dma2 semaphore(%arg22 : memref<!tpu.dma_semaphore, #tpu.memory_space<semaphore_mem>>) src(%dma_wait3A_101 : memref<8192xf32, #tpu.memory_space<hbm>>) dst(%arg12 : memref<8192xf32, #tpu.memory_space<vmem>>)
    %dma_wait3A_102 = arith.constant 0 : i32
    %dma_wait3A_103 = arith.constant 0 : i32
    %dma_wait3A_104 = tpu.memref_slice %arg5[%dma_wait3A_102, %dma_wait3A_103] : memref<4096x4096xf32, #tpu.memory_space<hbm>> -> memref<1x4096xf32, #tpu.memory_space<hbm>>
    %dma_wait3A_105 = tpu.memref_squeeze %dma_wait3A_104 : memref<1x4096xf32, #tpu.memory_space<hbm>> -> memref<4096xf32, #tpu.memory_space<hbm>>
    %dma_wait3A_106 = arith.constant 0 : i32
    %dma_wait3A_107 = tpu.memref_slice %arg5[%dma_wait3A_102, %dma_wait3A_106] : memref<4096x4096xf32, #tpu.memory_space<hbm>> -> memref<1x4096xf32, #tpu.memory_space<hbm>>
    %dma_wait3A_108 = tpu.memref_squeeze %dma_wait3A_107 : memref<1x4096xf32, #tpu.memory_space<hbm>> -> memref<4096xf32, #tpu.memory_space<hbm>>
    tpu.wait_dma2 semaphore(%arg26 : memref<!tpu.dma_semaphore, #tpu.memory_space<semaphore_mem>>) src(%arg16 : memref<4096xf32, #tpu.memory_space<vmem>>) dst(%dma_wait3A_108 : memref<4096xf32, #tpu.memory_space<hbm>>)
    return
  }
}

#map = affine_map<(d0, d1) -> (0)>
module attributes {stable_mosaic.version = 14 : i64} {
  func.func @_sc_scatter_body(%arg0: i32, %arg1: i32, %arg2: memref<8192xf32, #tpu.memory_space<hbm>>, %arg3: memref<4096xi32, #tpu.memory_space<hbm>>, %arg4: memref<4096xf32, #tpu.memory_space<hbm>>, %arg5: memref<4096xi32, #tpu.memory_space<hbm>>, %arg6: memref<8192xf32, #tpu.memory_space<hbm>>, %arg7: memref<8192xf32, #tpu.memory_space<vmem>>, %arg8: memref<4096xi32, #tpu.memory_space<vmem>>, %arg9: memref<4096xf32, #tpu.memory_space<vmem>>, %arg10: memref<4096xi32, #tpu.memory_space<vmem>>, %arg11: memref<!tpu.dma_semaphore, #tpu.memory_space<semaphore_mem>>) attributes {dimension_semantics = [#tpu.dimension_semantics<core_parallel>, #tpu.dimension_semantics<subcore_parallel>], iteration_bounds = array<i64: 2, 16>, scalar_prefetch = 0 : i64, scratch_operands = 5 : i64, tpu.core_type = #tpu.core_type<sc_vector_subcore>, window_params = [{transform_indices = #map}, {transform_indices = #map}, {transform_indices = #map}, {transform_indices = #map}, {transform_indices = #map}]} {
    %mul3A = arith.constant 2 : i32
    %mul3A_0 = arith.muli %arg1, %mul3A : i32
    %add3A = arith.addi %mul3A_0, %arg0 : i32
    %eq3A = arith.constant 0 : i32
    %eq3A_1 = arith.cmpi eq, %add3A, %eq3A : i32
    %convert_element_type3A = arith.extui %eq3A_1 : i1 to i32
    %cond3A = arith.constant 0 : i32
    %cond3A_2 = arith.cmpi ne, %convert_element_type3A, %cond3A : i32
    scf.if %cond3A_2 {
      "tpu.region"() ({
        %run_scoped3A = tpu.sem_alloc : memref<!tpu.dma_semaphore, #tpu.memory_space<semaphore_mem>>
        tpu.enqueue_dma source(%arg2 : memref<8192xf32, #tpu.memory_space<hbm>>) target(%arg7 : memref<8192xf32, #tpu.memory_space<vmem>>) target_semaphore(%run_scoped3A : memref<!tpu.dma_semaphore, #tpu.memory_space<semaphore_mem>>)
        tpu.wait_dma2 semaphore(%run_scoped3A : memref<!tpu.dma_semaphore, #tpu.memory_space<semaphore_mem>>) src(%arg2 : memref<8192xf32, #tpu.memory_space<hbm>>) dst(%arg7 : memref<8192xf32, #tpu.memory_space<vmem>>)
        tpu.yield
      }) : () -> ()
      "tpu.region"() ({
        %run_scoped3A = tpu.sem_alloc : memref<!tpu.dma_semaphore, #tpu.memory_space<semaphore_mem>>
        tpu.enqueue_dma source(%arg3 : memref<4096xi32, #tpu.memory_space<hbm>>) target(%arg8 : memref<4096xi32, #tpu.memory_space<vmem>>) target_semaphore(%run_scoped3A : memref<!tpu.dma_semaphore, #tpu.memory_space<semaphore_mem>>)
        tpu.wait_dma2 semaphore(%run_scoped3A : memref<!tpu.dma_semaphore, #tpu.memory_space<semaphore_mem>>) src(%arg3 : memref<4096xi32, #tpu.memory_space<hbm>>) dst(%arg8 : memref<4096xi32, #tpu.memory_space<vmem>>)
        tpu.yield
      }) : () -> ()
      "tpu.region"() ({
        %run_scoped3A = tpu.sem_alloc : memref<!tpu.dma_semaphore, #tpu.memory_space<semaphore_mem>>
        tpu.enqueue_dma source(%arg4 : memref<4096xf32, #tpu.memory_space<hbm>>) target(%arg9 : memref<4096xf32, #tpu.memory_space<vmem>>) target_semaphore(%run_scoped3A : memref<!tpu.dma_semaphore, #tpu.memory_space<semaphore_mem>>)
        tpu.wait_dma2 semaphore(%run_scoped3A : memref<!tpu.dma_semaphore, #tpu.memory_space<semaphore_mem>>) src(%arg4 : memref<4096xf32, #tpu.memory_space<hbm>>) dst(%arg9 : memref<4096xf32, #tpu.memory_space<vmem>>)
        tpu.yield
      }) : () -> ()
      "tpu.region"() ({
        %run_scoped3A = tpu.sem_alloc : memref<!tpu.dma_semaphore, #tpu.memory_space<semaphore_mem>>
        tpu.enqueue_dma source(%arg5 : memref<4096xi32, #tpu.memory_space<hbm>>) target(%arg10 : memref<4096xi32, #tpu.memory_space<vmem>>) target_semaphore(%run_scoped3A : memref<!tpu.dma_semaphore, #tpu.memory_space<semaphore_mem>>)
        tpu.wait_dma2 semaphore(%run_scoped3A : memref<!tpu.dma_semaphore, #tpu.memory_space<semaphore_mem>>) src(%arg5 : memref<4096xi32, #tpu.memory_space<hbm>>) dst(%arg10 : memref<4096xi32, #tpu.memory_space<vmem>>)
        tpu.yield
      }) : () -> ()
      %scan3A = arith.constant 0 : i32
      %scan3A_3 = arith.constant 0 : i32
      %scan3A_4 = arith.constant 256 : i32
      %scan3A_5 = arith.addi %scan3A_3, %scan3A_4 : i32
      %scan3A_6 = arith.constant 1 : i32
      scf.for %scan3A_8 = %scan3A_3 to %scan3A_5 step %scan3A_6  : i32 {
        %mul3A_9 = arith.constant 16 : i32
        %mul3A_10 = arith.muli %scan3A_8, %mul3A_9 : i32
        %get3A = arith.index_cast %mul3A_10 : i32 to index
        %get3A_11 = tpu.vector_load %arg10[%get3A] {strides = array<i32>} : memref<4096xi32, #tpu.memory_space<vmem>>, vector<16xi32>,
        %ne3A = arith.constant 0 : i32
        %ne3A_12 = vector.broadcast %ne3A : i32 to vector<16xi32>
        %ne3A_13 = arith.cmpi ne, %get3A_11, %ne3A_12 : vector<16xi32>
        %get3A_14 = arith.index_cast %mul3A_10 : i32 to index
        %get3A_15 = tpu.vector_load %arg8[%get3A_14] {strides = array<i32>} : memref<4096xi32, #tpu.memory_space<vmem>>, vector<16xi32>,
        %get3A_16 = arith.index_cast %mul3A_10 : i32 to index
        %get3A_17 = tpu.vector_load %arg9[%get3A_16] {strides = array<i32>} : memref<4096xf32, #tpu.memory_space<vmem>>, vector<16xf32>,
        tpu.vector_store_idx %arg7[%get3A_15], %get3A_17 masked %ne3A_13 : memref<8192xf32, #tpu.memory_space<vmem>>[vector<16xi32>], vector<16xf32>, vector<16xi1>
      }
      %scan3A_7 = arith.constant 256 : i32
      "tpu.region"() ({
        %run_scoped3A = tpu.sem_alloc : memref<!tpu.dma_semaphore, #tpu.memory_space<semaphore_mem>>
        tpu.enqueue_dma source(%arg7 : memref<8192xf32, #tpu.memory_space<vmem>>) target(%arg6 : memref<8192xf32, #tpu.memory_space<hbm>>) target_semaphore(%run_scoped3A : memref<!tpu.dma_semaphore, #tpu.memory_space<semaphore_mem>>)
        tpu.wait_dma2 semaphore(%run_scoped3A : memref<!tpu.dma_semaphore, #tpu.memory_space<semaphore_mem>>) src(%arg7 : memref<8192xf32, #tpu.memory_space<vmem>>) dst(%arg6 : memref<8192xf32, #tpu.memory_space<hbm>>)
        tpu.yield
      }) : () -> ()
    } else {
    }
    return
  }
}

module attributes {stable_mosaic.version = 14 : i64} {
  func.func @_matvec_body(%arg0: i32, %arg1: memref<128x8192xf32, #tpu.memory_space<vmem>>, %arg2: memref<1x8192xf32, #tpu.memory_space<vmem>>, %arg3: memref<128x1xf32, #tpu.memory_space<vmem>>, %arg4: memref<128x1xf32, #tpu.memory_space<vmem>>) attributes {dimension_semantics = [#tpu.dimension_semantics<arbitrary>], iteration_bounds = array<i64: 64>, scalar_prefetch = 0 : i64, scratch_operands = 0 : i64, tpu.core_type = #tpu.core_type<tc>, window_params = [{transform_indices = @transform_0, window_bounds = array<i64: 128, 8192>}, {pipeline_mode = #tpu.pipeline_mode<synchronous>, transform_indices = @transform_1, window_bounds = array<i64: 1, 8192>}, {transform_indices = @transform_2, window_bounds = array<i64: 128, 1>}, {transform_indices = @transform_3, window_bounds = array<i64: 128, 1>}]} {
    %get3A = arith.constant 0 : index
    %get3A_0 = arith.constant 0 : index
    %get3A_1 = vector.load %arg1[%get3A, %get3A_0] : memref<128x8192xf32, #tpu.memory_space<vmem>>, vector<128x8192xf32>
    %get3A_2 = arith.constant 0 : index
    %get3A_3 = arith.constant 0 : index
    %get3A_4 = vector.load %arg2[%get3A_2, %get3A_3] : memref<1x8192xf32, #tpu.memory_space<vmem>>, vector<1x8192xf32>
    %mul3A = vector.broadcast %get3A_4 : vector<1x8192xf32> to vector<128x8192xf32>
    %mul3A_5 = arith.mulf %get3A_1, %mul3A : vector<128x8192xf32>
    %reduce_sum3A = arith.constant dense<0.000000e+00> : vector<128xf32>
    %reduce_sum3A_6 = vector.multi_reduction <add>, %mul3A_5, %reduce_sum3A [1] : vector<128x8192xf32> to vector<128xf32>
    %broadcast_in_dim3A = vector.shape_cast %reduce_sum3A_6 : vector<128xf32> to vector<128x1xf32>
    %get3A_7 = arith.constant 0 : index
    %get3A_8 = arith.constant 0 : index
    %get3A_9 = vector.load %arg3[%get3A_7, %get3A_8] : memref<128x1xf32, #tpu.memory_space<vmem>>, vector<128x1xf32>
    %add3A = arith.addf %broadcast_in_dim3A, %get3A_9 : vector<128x1xf32>
    %swap3A = arith.constant 0 : index
    %swap3A_10 = arith.constant 0 : index
    %swap3A_11 = vector.load %arg4[%swap3A, %swap3A_10] : memref<128x1xf32, #tpu.memory_space<vmem>>, vector<128x1xf32>
    tpu.vector_store %arg4[%swap3A, %swap3A_10], %add3A {strides = array<i32>} : memref<128x1xf32, #tpu.memory_space<vmem>>, vector<128x1xf32>,
    return
  }
  func.func @transform_0(%arg0: i32) -> (i32, i32) {
    %c0_i32 = arith.constant 0 : i32
    %c0_i32_0 = arith.constant 0 : i32
    return %arg0, %c0_i32 : i32, i32
  }
  func.func @transform_1(%arg0: i32) -> (i32, i32) {
    %c0_i32 = arith.constant 0 : i32
    %c0_i32_0 = arith.constant 0 : i32
    %c0_i32_1 = arith.constant 0 : i32
    return %c0_i32, %c0_i32_0 : i32, i32
  }
  func.func @transform_2(%arg0: i32) -> (i32, i32) {
    %c0_i32 = arith.constant 0 : i32
    %c0_i32_0 = arith.constant 0 : i32
    return %arg0, %c0_i32 : i32, i32
  }
  func.func @transform_3(%arg0: i32) -> (i32, i32) {
    %c0_i32 = arith.constant 0 : i32
    %c0_i32_0 = arith.constant 0 : i32
    return %arg0, %c0_i32 : i32, i32
  }
}

module attributes {stable_mosaic.version = 14 : i64} {
  func.func @_chunk_body(%arg0: i32, %arg1: memref<4096xi32, #tpu.memory_space<smem>>, %arg2: memref<4096xf32, #tpu.memory_space<smem>>, %arg3: memref<4096xi32, #tpu.memory_space<smem>>, %arg4: memref<4096xf32, #tpu.memory_space<smem>>, %arg5: memref<8192xf32, #tpu.memory_space<smem>>, %arg6: memref<512x4096xf32, #tpu.memory_space<vmem>>, %arg7: memref<512x512xf32, #tpu.memory_space<vmem>>, %arg8: memref<8x512xf32, #tpu.memory_space<vmem>>, %arg9: memref<8x512xf32, #tpu.memory_space<vmem>>) attributes {dimension_semantics = [#tpu.dimension_semantics<arbitrary>], iteration_bounds = array<i64: 8>, scalar_prefetch = 5 : i64, scratch_operands = 1 : i64, tpu.core_type = #tpu.core_type<tc>, window_params = [{transform_indices = @transform_0, window_bounds = array<i64: 512, 4096>}, {transform_indices = @transform_1, window_bounds = array<i64: 512, 512>}, {pipeline_mode = #tpu.pipeline_mode<synchronous>, transform_indices = @transform_2, window_bounds = array<i64: 8, 512>}]} {
    %eq3A = arith.constant 0 : i32
    %eq3A_0 = arith.cmpi eq, %arg0, %eq3A : i32
    %convert_element_type3A = arith.extui %eq3A_0 : i1 to i32
    %cond3A = arith.constant 0 : i32
    %cond3A_1 = arith.cmpi ne, %convert_element_type3A, %cond3A : i32
    scf.if %cond3A_1 {
      %broadcast_in_dim3A_93 = arith.constant 0.000000e+00 : f32
      %broadcast_in_dim3A_94 = vector.broadcast %broadcast_in_dim3A_93 : f32 to vector<8x512xf32>
      %swap3A_95 = arith.constant 0 : index
      %swap3A_96 = arith.constant 0 : index
      %swap3A_97 = vector.load %arg9[%swap3A_95, %swap3A_96] : memref<8x512xf32, #tpu.memory_space<vmem>>, vector<8x512xf32>
      tpu.vector_store %arg9[%swap3A_95, %swap3A_96], %broadcast_in_dim3A_94 {strides = array<i32>} : memref<8x512xf32, #tpu.memory_space<vmem>>, vector<8x512xf32>,
    } else {
    }
    %iota3A = tpu.iota {dimensions = array<i32: 1>} : vector<1x512xi32>
    %get3A = arith.index_cast %arg0 : i32 to index
    %get3A_2 = arith.constant 0 : index
    %get3A_3 = vector.load %arg9[%get3A, %get3A_2] : memref<8x512xf32, #tpu.memory_space<vmem>>, vector<1x512xf32>
    %get3A_4 = vector.shape_cast %get3A_3 : vector<1x512xf32> to vector<512xf32>
    %reshape3A = vector.shape_cast %get3A_4 : vector<512xf32> to vector<1x512xf32>
    %eq3A_5 = arith.constant 0 : i32
    %eq3A_6 = vector.broadcast %eq3A_5 : i32 to vector<1x512xi32>
    %eq3A_7 = arith.cmpi eq, %iota3A, %eq3A_6 : vector<1x512xi32>
    %jit3A = arith.constant 0.000000e+00 : f32
    %broadcast_in_dim3A = vector.broadcast %jit3A : f32 to vector<1x512xf32>
    %select_n3A = arith.select %eq3A_7, %reshape3A, %broadcast_in_dim3A : vector<1x512xi1>, vector<1x512xf32>
    %reduce_sum3A = vector.shape_cast %select_n3A : vector<1x512xf32> to vector<1x1x512xf32>
    %reduce_sum3A_8 = arith.constant dense<0.000000e+00> : vector<1xf32>
    %reduce_sum3A_9 = vector.multi_reduction <add>, %reduce_sum3A, %reduce_sum3A_8 [1, 2] : vector<1x1x512xf32> to vector<1xf32>
    %reduce_sum3A_10 = vector.shape_cast %reduce_sum3A_9 : vector<1xf32> to vector<1x1x1xf32>
    %reduce_sum3A_11 = vector.extract %reduce_sum3A_10[0, 0, 0] : f32 from vector<1x1x1xf32>
    %mul3A = arith.constant 512 : i32
    %mul3A_12 = arith.muli %arg0, %mul3A : i32
    %get3A_13 = arith.index_cast %mul3A_12 : i32 to index
    %get3A_14 = memref.load %arg3[%get3A_13] : memref<4096xi32, #tpu.memory_space<smem>>
    %max3A = arith.constant 0 : i32
    %max3A_15 = arith.maxsi %get3A_14, %max3A : i32
    %jit3A_16 = arith.constant 512 : i32
    %div3A = arith.divsi %max3A_15, %jit3A_16 : i32
    %sign3A = arith.constant 0 : i32
    %sign3A_17 = arith.cmpi sgt, %max3A_15, %sign3A : i32
    %sign3A_18 = arith.extui %sign3A_17 : i1 to i32
    %sign3A_19 = arith.constant 0 : i32
    %sign3A_20 = arith.cmpi slt, %max3A_15, %sign3A_19 : i32
    %sign3A_21 = arith.extui %sign3A_20 : i1 to i32
    %sign3A_22 = arith.subi %sign3A_18, %sign3A_21 : i32
    %sign3A_23 = arith.constant 0 : i32
    %sign3A_24 = arith.cmpi sgt, %jit3A_16, %sign3A_23 : i32
    %sign3A_25 = arith.extui %sign3A_24 : i1 to i32
    %sign3A_26 = arith.constant 0 : i32
    %sign3A_27 = arith.cmpi slt, %jit3A_16, %sign3A_26 : i32
    %sign3A_28 = arith.extui %sign3A_27 : i1 to i32
    %sign3A_29 = arith.subi %sign3A_25, %sign3A_28 : i32
    %ne3A = arith.cmpi ne, %sign3A_22, %sign3A_29 : i32
    %rem3A = arith.remsi %max3A_15, %jit3A_16 : i32
    %ne3A_30 = arith.constant 0 : i32
    %ne3A_31 = arith.cmpi ne, %rem3A, %ne3A_30 : i32
    %and3A = arith.andi %ne3A, %ne3A_31 : i1
    %sub3A = arith.constant 1 : i32
    %sub3A_32 = arith.subi %div3A, %sub3A : i32
    %select_n3A_33 = arith.select %and3A, %sub3A_32, %div3A : i32
    %get3A_34 = arith.index_cast %select_n3A_33 : i32 to index
    %get3A_35 = arith.constant 0 : index
    %get3A_36 = vector.load %arg8[%get3A_34, %get3A_35] : memref<8x512xf32, #tpu.memory_space<vmem>>, vector<1x512xf32>
    %get3A_37 = vector.shape_cast %get3A_36 : vector<1x512xf32> to vector<512xf32>
    %reshape3A_38 = vector.shape_cast %get3A_37 : vector<512xf32> to vector<1x512xf32>
    %jit3A_39 = arith.constant 512 : i32
    %eq3A_40 = arith.constant 0 : i32
    %eq3A_41 = arith.cmpi eq, %jit3A_39, %eq3A_40 : i32
    %jit3A_42 = arith.constant 1 : i32
    %select_n3A_43 = arith.select %eq3A_41, %jit3A_42, %jit3A_39 : i32
    %rem3A_44 = arith.remsi %max3A_15, %select_n3A_43 : i32
    %ne3A_45 = arith.constant 0 : i32
    %ne3A_46 = arith.cmpi ne, %rem3A_44, %ne3A_45 : i32
    %lt3A = arith.constant 0 : i32
    %lt3A_47 = arith.cmpi slt, %rem3A_44, %lt3A : i32
    %lt3A_48 = arith.constant 0 : i32
    %lt3A_49 = arith.cmpi slt, %select_n3A_43, %lt3A_48 : i32
    %ne3A_50 = arith.xori %lt3A_47, %lt3A_49 : i1
    %and3A_51 = arith.andi %ne3A_50, %ne3A_46 : i1
    %add3A = arith.addi %rem3A_44, %select_n3A_43 : i32
    %select_n3A_52 = arith.select %and3A_51, %add3A, %rem3A_44 : i32
    %eq3A_53 = vector.broadcast %select_n3A_52 : i32 to vector<1x512xi32>
    %eq3A_54 = arith.cmpi eq, %iota3A, %eq3A_53 : vector<1x512xi32>
    %jit3A_55 = arith.constant 0.000000e+00 : f32
    %broadcast_in_dim3A_56 = vector.broadcast %jit3A_55 : f32 to vector<1x512xf32>
    %select_n3A_57 = arith.select %eq3A_54, %reshape3A_38, %broadcast_in_dim3A_56 : vector<1x512xi1>, vector<1x512xf32>
    %reduce_sum3A_58 = vector.shape_cast %select_n3A_57 : vector<1x512xf32> to vector<1x1x512xf32>
    %reduce_sum3A_59 = arith.constant dense<0.000000e+00> : vector<1xf32>
    %reduce_sum3A_60 = vector.multi_reduction <add>, %reduce_sum3A_58, %reduce_sum3A_59 [1, 2] : vector<1x1x512xf32> to vector<1xf32>
    %reduce_sum3A_61 = vector.shape_cast %reduce_sum3A_60 : vector<1xf32> to vector<1x1x1xf32>
    %reduce_sum3A_62 = vector.extract %reduce_sum3A_61[0, 0, 0] : f32 from vector<1x1x1xf32>
    %ge3A = arith.constant 0 : i32
    %ge3A_63 = arith.cmpi sge, %get3A_14, %ge3A : i32
    %mul3A_64 = arith.constant 512 : i32
    %mul3A_65 = arith.muli %arg0, %mul3A_64 : i32
    %get3A_66 = arith.index_cast %mul3A_65 : i32 to index
    %get3A_67 = memref.load %arg4[%get3A_66] : memref<4096xf32, #tpu.memory_space<smem>>
    %select_n3A_68 = arith.select %ge3A_63, %reduce_sum3A_62, %get3A_67 : f32
    %broadcast_in_dim3A_69 = arith.constant 0.000000e+00 : f32
    %broadcast_in_dim3A_70 = vector.broadcast %broadcast_in_dim3A_69 : f32 to vector<1x512xf32>
    %scan3A = arith.constant 0 : i32
    %scan3A_71 = arith.constant 512 : i32
    %scan3A_72 = arith.addi %scan3A, %scan3A_71 : i32
    %scan3A_73 = arith.constant 2 : i32
    %scan3A_74:5 = scf.for %scan3A_93 = %scan3A to %scan3A_72 step %scan3A_73 iter_args(%scan3A_94 = %broadcast_in_dim3A_70, %scan3A_95 = %broadcast_in_dim3A_70, %scan3A_96 = %reshape3A, %scan3A_97 = %reduce_sum3A_11, %scan3A_98 = %select_n3A_68) -> (vector<1x512xf32>, vector<1x512xf32>, vector<1x512xf32>, f32, f32)  : i32 {
      %mul3A_99 = arith.constant 512 : i32
      %mul3A_100 = arith.muli %arg0, %mul3A_99 : i32
      %add3A_101 = arith.addi %mul3A_100, %scan3A_93 : i32
      %get3A_102 = arith.index_cast %add3A_101 : i32 to index
      %get3A_103 = memref.load %arg1[%get3A_102] : memref<4096xi32, #tpu.memory_space<smem>>
      %get3A_104 = arith.index_cast %get3A_103 : i32 to index
      %get3A_105 = memref.load %arg5[%get3A_104] : memref<8192xf32, #tpu.memory_space<smem>>
      %add3A_106 = arith.addf %get3A_105, %scan3A_97 : f32
      %get3A_107 = arith.index_cast %add3A_101 : i32 to index
      %get3A_108 = memref.load %arg2[%get3A_107] : memref<4096xf32, #tpu.memory_space<smem>>
      %ge3A_109 = arith.cmpf oge, %add3A_106, %get3A_108 : f32
      %jit3A_110 = arith.constant 1.000000e+00 : f32
      %jit3A_111 = arith.constant -1.000000e+00 : f32
      %select_n3A_112 = arith.select %ge3A_109, %jit3A_110, %jit3A_111 : f32
      %sub3A_113 = arith.subf %select_n3A_112, %scan3A_98 : f32
      %get3A_114 = arith.index_cast %scan3A_93 : i32 to index
      %get3A_115 = arith.constant 0 : index
      %get3A_116 = vector.load %arg7[%get3A_114, %get3A_115] : memref<512x512xf32, #tpu.memory_space<vmem>>, vector<1x512xf32>
      %get3A_117 = vector.shape_cast %get3A_116 : vector<1x512xf32> to vector<512xf32>
      %reshape3A_118 = vector.shape_cast %get3A_117 : vector<512xf32> to vector<1x512xf32>
      %add3A_119 = arith.constant 1 : i32
      %add3A_120 = arith.addi %add3A_101, %add3A_119 : i32
      %min3A = arith.constant 4095 : i32
      %min3A_121 = arith.minsi %add3A_120, %min3A : i32
      %add3A_122 = arith.constant 1 : i32
      %add3A_123 = arith.addi %scan3A_93, %add3A_122 : i32
      %eq3A_124 = vector.broadcast %add3A_123 : i32 to vector<1x512xi32>
      %eq3A_125 = arith.cmpi eq, %iota3A, %eq3A_124 : vector<1x512xi32>
      %jit3A_126 = arith.constant 0.000000e+00 : f32
      %broadcast_in_dim3A_127 = vector.broadcast %jit3A_126 : f32 to vector<1x512xf32>
      %select_n3A_128 = arith.select %eq3A_125, %scan3A_96, %broadcast_in_dim3A_127 : vector<1x512xi1>, vector<1x512xf32>
      %reduce_sum3A_129 = vector.shape_cast %select_n3A_128 : vector<1x512xf32> to vector<1x1x512xf32>
      %reduce_sum3A_130 = arith.constant dense<0.000000e+00> : vector<1xf32>
      %reduce_sum3A_131 = vector.multi_reduction <add>, %reduce_sum3A_129, %reduce_sum3A_130 [1, 2] : vector<1x1x512xf32> to vector<1xf32>
      %reduce_sum3A_132 = vector.shape_cast %reduce_sum3A_131 : vector<1xf32> to vector<1x1x1xf32>
      %reduce_sum3A_133 = vector.extract %reduce_sum3A_132[0, 0, 0] : f32 from vector<1x1x1xf32>
      %jit3A_134 = arith.constant 0.000000e+00 : f32
      %broadcast_in_dim3A_135 = vector.broadcast %jit3A_134 : f32 to vector<1x512xf32>
      %select_n3A_136 = arith.select %eq3A_125, %reshape3A_118, %broadcast_in_dim3A_135 : vector<1x512xi1>, vector<1x512xf32>
      %reduce_sum3A_137 = vector.shape_cast %select_n3A_136 : vector<1x512xf32> to vector<1x1x512xf32>
      %reduce_sum3A_138 = arith.constant dense<0.000000e+00> : vector<1xf32>
      %reduce_sum3A_139 = vector.multi_reduction <add>, %reduce_sum3A_137, %reduce_sum3A_138 [1, 2] : vector<1x1x512xf32> to vector<1xf32>
      %reduce_sum3A_140 = vector.shape_cast %reduce_sum3A_139 : vector<1xf32> to vector<1x1x1xf32>
      %reduce_sum3A_141 = vector.extract %reduce_sum3A_140[0, 0, 0] : f32 from vector<1x1x1xf32>
      %mul3A_142 = arith.mulf %reduce_sum3A_141, %sub3A_113 : f32
      %add3A_143 = arith.addf %reduce_sum3A_133, %mul3A_142 : f32
      %get3A_144 = arith.index_cast %min3A_121 : i32 to index
      %get3A_145 = memref.load %arg3[%get3A_144] : memref<4096xi32, #tpu.memory_space<smem>>
      %max3A_146 = arith.constant 0 : i32
      %max3A_147 = arith.maxsi %get3A_145, %max3A_146 : i32
      %jit3A_148 = arith.constant 512 : i32
      %div3A_149 = arith.divsi %max3A_147, %jit3A_148 : i32
      %sign3A_150 = arith.constant 0 : i32
      %sign3A_151 = arith.cmpi sgt, %max3A_147, %sign3A_150 : i32
      %sign3A_152 = arith.extui %sign3A_151 : i1 to i32
      %sign3A_153 = arith.constant 0 : i32
      %sign3A_154 = arith.cmpi slt, %max3A_147, %sign3A_153 : i32
      %sign3A_155 = arith.extui %sign3A_154 : i1 to i32
      %sign3A_156 = arith.subi %sign3A_152, %sign3A_155 : i32
      %sign3A_157 = arith.constant 0 : i32
      %sign3A_158 = arith.cmpi sgt, %jit3A_148, %sign3A_157 : i32
      %sign3A_159 = arith.extui %sign3A_158 : i1 to i32
      %sign3A_160 = arith.constant 0 : i32
      %sign3A_161 = arith.cmpi slt, %jit3A_148, %sign3A_160 : i32
      %sign3A_162 = arith.extui %sign3A_161 : i1 to i32
      %sign3A_163 = arith.subi %sign3A_159, %sign3A_162 : i32
      %ne3A_164 = arith.cmpi ne, %sign3A_156, %sign3A_163 : i32
      %rem3A_165 = arith.remsi %max3A_147, %jit3A_148 : i32
      %ne3A_166 = arith.constant 0 : i32
      %ne3A_167 = arith.cmpi ne, %rem3A_165, %ne3A_166 : i32
      %and3A_168 = arith.andi %ne3A_164, %ne3A_167 : i1
      %sub3A_169 = arith.constant 1 : i32
      %sub3A_170 = arith.subi %div3A_149, %sub3A_169 : i32
      %select_n3A_171 = arith.select %and3A_168, %sub3A_170, %div3A_149 : i32
      %get3A_172 = arith.index_cast %select_n3A_171 : i32 to index
      %get3A_173 = arith.constant 0 : index
      %get3A_174 = vector.load %arg8[%get3A_172, %get3A_173] : memref<8x512xf32, #tpu.memory_space<vmem>>, vector<1x512xf32>
      %get3A_175 = vector.shape_cast %get3A_174 : vector<1x512xf32> to vector<512xf32>
      %reshape3A_176 = vector.shape_cast %get3A_175 : vector<512xf32> to vector<1x512xf32>
      %mul3A_177 = arith.constant 512 : i32
      %mul3A_178 = arith.muli %arg0, %mul3A_177 : i32
      %ge3A_179 = arith.cmpi sge, %get3A_145, %mul3A_178 : i32
      %select_n3A_180 = arith.select %ge3A_179, %scan3A_95, %reshape3A_176 : vector<1x512xf32>
      %jit3A_181 = arith.constant 512 : i32
      %eq3A_182 = arith.constant 0 : i32
      %eq3A_183 = arith.cmpi eq, %jit3A_181, %eq3A_182 : i32
      %jit3A_184 = arith.constant 1 : i32
      %select_n3A_185 = arith.select %eq3A_183, %jit3A_184, %jit3A_181 : i32
      %rem3A_186 = arith.remsi %max3A_147, %select_n3A_185 : i32
      %ne3A_187 = arith.constant 0 : i32
      %ne3A_188 = arith.cmpi ne, %rem3A_186, %ne3A_187 : i32
      %lt3A_189 = arith.constant 0 : i32
      %lt3A_190 = arith.cmpi slt, %rem3A_186, %lt3A_189 : i32
      %lt3A_191 = arith.constant 0 : i32
      %lt3A_192 = arith.cmpi slt, %select_n3A_185, %lt3A_191 : i32
      %ne3A_193 = arith.xori %lt3A_190, %lt3A_192 : i1
      %and3A_194 = arith.andi %ne3A_193, %ne3A_188 : i1
      %add3A_195 = arith.addi %rem3A_186, %select_n3A_185 : i32
      %select_n3A_196 = arith.select %and3A_194, %add3A_195, %rem3A_186 : i32
      %eq3A_197 = vector.broadcast %select_n3A_196 : i32 to vector<1x512xi32>
      %eq3A_198 = arith.cmpi eq, %iota3A, %eq3A_197 : vector<1x512xi32>
      %jit3A_199 = arith.constant 0.000000e+00 : f32
      %broadcast_in_dim3A_200 = vector.broadcast %jit3A_199 : f32 to vector<1x512xf32>
      %select_n3A_201 = arith.select %eq3A_198, %select_n3A_180, %broadcast_in_dim3A_200 : vector<1x512xi1>, vector<1x512xf32>
      %reduce_sum3A_202 = vector.shape_cast %select_n3A_201 : vector<1x512xf32> to vector<1x1x512xf32>
      %reduce_sum3A_203 = arith.constant dense<0.000000e+00> : vector<1xf32>
      %reduce_sum3A_204 = vector.multi_reduction <add>, %reduce_sum3A_202, %reduce_sum3A_203 [1, 2] : vector<1x1x512xf32> to vector<1xf32>
      %reduce_sum3A_205 = vector.shape_cast %reduce_sum3A_204 : vector<1xf32> to vector<1x1x1xf32>
      %reduce_sum3A_206 = vector.extract %reduce_sum3A_205[0, 0, 0] : f32 from vector<1x1x1xf32>
      %eq3A_207 = arith.cmpi eq, %get3A_145, %add3A_101 : i32
      %select_n3A_208 = arith.select %eq3A_207, %select_n3A_112, %reduce_sum3A_206 : f32
      %ge3A_209 = arith.constant 0 : i32
      %ge3A_210 = arith.cmpi sge, %get3A_145, %ge3A_209 : i32
      %get3A_211 = arith.index_cast %min3A_121 : i32 to index
      %get3A_212 = memref.load %arg4[%get3A_211] : memref<4096xf32, #tpu.memory_space<smem>>
      %select_n3A_213 = arith.select %ge3A_210, %select_n3A_208, %get3A_212 : f32
      %mul3A_214 = vector.broadcast %sub3A_113 : f32 to vector<1x512xf32>
      %mul3A_215 = arith.mulf %reshape3A_118, %mul3A_214 : vector<1x512xf32>
      %add3A_216 = arith.addf %scan3A_96, %mul3A_215 : vector<1x512xf32>
      %eq3A_217 = vector.broadcast %scan3A_93 : i32 to vector<1x512xi32>
      %eq3A_218 = arith.cmpi eq, %iota3A, %eq3A_217 : vector<1x512xi32>
      %broadcast_in_dim3A_219 = vector.broadcast %sub3A_113 : f32 to vector<1x512xf32>
      %select_n3A_220 = arith.select %eq3A_218, %broadcast_in_dim3A_219, %scan3A_94 : vector<1x512xi1>, vector<1x512xf32>
      %broadcast_in_dim3A_221 = vector.broadcast %select_n3A_112 : f32 to vector<1x512xf32>
      %select_n3A_222 = arith.select %eq3A_218, %broadcast_in_dim3A_221, %scan3A_95 : vector<1x512xi1>, vector<1x512xf32>
      %scan3A_223 = arith.constant 1 : i32
      %scan3A_224 = arith.addi %scan3A_93, %scan3A_223 : i32
      %mul3A_225 = arith.constant 512 : i32
      %mul3A_226 = arith.muli %arg0, %mul3A_225 : i32
      %add3A_227 = arith.addi %mul3A_226, %scan3A_224 : i32
      %get3A_228 = arith.index_cast %add3A_227 : i32 to index
      %get3A_229 = memref.load %arg1[%get3A_228] : memref<4096xi32, #tpu.memory_space<smem>>
      %get3A_230 = arith.index_cast %get3A_229 : i32 to index
      %get3A_231 = memref.load %arg5[%get3A_230] : memref<8192xf32, #tpu.memory_space<smem>>
      %add3A_232 = arith.addf %get3A_231, %add3A_143 : f32
      %get3A_233 = arith.index_cast %add3A_227 : i32 to index
      %get3A_234 = memref.load %arg2[%get3A_233] : memref<4096xf32, #tpu.memory_space<smem>>
      %ge3A_235 = arith.cmpf oge, %add3A_232, %get3A_234 : f32
      %jit3A_236 = arith.constant 1.000000e+00 : f32
      %jit3A_237 = arith.constant -1.000000e+00 : f32
      %select_n3A_238 = arith.select %ge3A_235, %jit3A_236, %jit3A_237 : f32
      %sub3A_239 = arith.subf %select_n3A_238, %select_n3A_213 : f32
      %get3A_240 = arith.index_cast %scan3A_224 : i32 to index
      %get3A_241 = arith.constant 0 : index
      %get3A_242 = vector.load %arg7[%get3A_240, %get3A_241] : memref<512x512xf32, #tpu.memory_space<vmem>>, vector<1x512xf32>
      %get3A_243 = vector.shape_cast %get3A_242 : vector<1x512xf32> to vector<512xf32>
      %reshape3A_244 = vector.shape_cast %get3A_243 : vector<512xf32> to vector<1x512xf32>
      %add3A_245 = arith.constant 1 : i32
      %add3A_246 = arith.addi %add3A_227, %add3A_245 : i32
      %min3A_247 = arith.constant 4095 : i32
      %min3A_248 = arith.minsi %add3A_246, %min3A_247 : i32
      %add3A_249 = arith.constant 1 : i32
      %add3A_250 = arith.addi %scan3A_224, %add3A_249 : i32
      %eq3A_251 = vector.broadcast %add3A_250 : i32 to vector<1x512xi32>
      %eq3A_252 = arith.cmpi eq, %iota3A, %eq3A_251 : vector<1x512xi32>
      %jit3A_253 = arith.constant 0.000000e+00 : f32
      %broadcast_in_dim3A_254 = vector.broadcast %jit3A_253 : f32 to vector<1x512xf32>
      %select_n3A_255 = arith.select %eq3A_252, %add3A_216, %broadcast_in_dim3A_254 : vector<1x512xi1>, vector<1x512xf32>
      %reduce_sum3A_256 = vector.shape_cast %select_n3A_255 : vector<1x512xf32> to vector<1x1x512xf32>
      %reduce_sum3A_257 = arith.constant dense<0.000000e+00> : vector<1xf32>
      %reduce_sum3A_258 = vector.multi_reduction <add>, %reduce_sum3A_256, %reduce_sum3A_257 [1, 2] : vector<1x1x512xf32> to vector<1xf32>
      %reduce_sum3A_259 = vector.shape_cast %reduce_sum3A_258 : vector<1xf32> to vector<1x1x1xf32>
      %reduce_sum3A_260 = vector.extract %reduce_sum3A_259[0, 0, 0] : f32 from vector<1x1x1xf32>
      %jit3A_261 = arith.constant 0.000000e+00 : f32
      %broadcast_in_dim3A_262 = vector.broadcast %jit3A_261 : f32 to vector<1x512xf32>
      %select_n3A_263 = arith.select %eq3A_252, %reshape3A_244, %broadcast_in_dim3A_262 : vector<1x512xi1>, vector<1x512xf32>
      %reduce_sum3A_264 = vector.shape_cast %select_n3A_263 : vector<1x512xf32> to vector<1x1x512xf32>
      %reduce_sum3A_265 = arith.constant dense<0.000000e+00> : vector<1xf32>
      %reduce_sum3A_266 = vector.multi_reduction <add>, %reduce_sum3A_264, %reduce_sum3A_265 [1, 2] : vector<1x1x512xf32> to vector<1xf32>
      %reduce_sum3A_267 = vector.shape_cast %reduce_sum3A_266 : vector<1xf32> to vector<1x1x1xf32>
      %reduce_sum3A_268 = vector.extract %reduce_sum3A_267[0, 0, 0] : f32 from vector<1x1x1xf32>
      %mul3A_269 = arith.mulf %reduce_sum3A_268, %sub3A_239 : f32
      %add3A_270 = arith.addf %reduce_sum3A_260, %mul3A_269 : f32
      %get3A_271 = arith.index_cast %min3A_248 : i32 to index
      %get3A_272 = memref.load %arg3[%get3A_271] : memref<4096xi32, #tpu.memory_space<smem>>
      %max3A_273 = arith.constant 0 : i32
      %max3A_274 = arith.maxsi %get3A_272, %max3A_273 : i32
      %jit3A_275 = arith.constant 512 : i32
      %div3A_276 = arith.divsi %max3A_274, %jit3A_275 : i32
      %sign3A_277 = arith.constant 0 : i32
      %sign3A_278 = arith.cmpi sgt, %max3A_274, %sign3A_277 : i32
      %sign3A_279 = arith.extui %sign3A_278 : i1 to i32
      %sign3A_280 = arith.constant 0 : i32
      %sign3A_281 = arith.cmpi slt, %max3A_274, %sign3A_280 : i32
      %sign3A_282 = arith.extui %sign3A_281 : i1 to i32
      %sign3A_283 = arith.subi %sign3A_279, %sign3A_282 : i32
      %sign3A_284 = arith.constant 0 : i32
      %sign3A_285 = arith.cmpi sgt, %jit3A_275, %sign3A_284 : i32
      %sign3A_286 = arith.extui %sign3A_285 : i1 to i32
      %sign3A_287 = arith.constant 0 : i32
      %sign3A_288 = arith.cmpi slt, %jit3A_275, %sign3A_287 : i32
      %sign3A_289 = arith.extui %sign3A_288 : i1 to i32
      %sign3A_290 = arith.subi %sign3A_286, %sign3A_289 : i32
      %ne3A_291 = arith.cmpi ne, %sign3A_283, %sign3A_290 : i32
      %rem3A_292 = arith.remsi %max3A_274, %jit3A_275 : i32
      %ne3A_293 = arith.constant 0 : i32
      %ne3A_294 = arith.cmpi ne, %rem3A_292, %ne3A_293 : i32
      %and3A_295 = arith.andi %ne3A_291, %ne3A_294 : i1
      %sub3A_296 = arith.constant 1 : i32
      %sub3A_297 = arith.subi %div3A_276, %sub3A_296 : i32
      %select_n3A_298 = arith.select %and3A_295, %sub3A_297, %div3A_276 : i32
      %get3A_299 = arith.index_cast %select_n3A_298 : i32 to index
      %get3A_300 = arith.constant 0 : index
      %get3A_301 = vector.load %arg8[%get3A_299, %get3A_300] : memref<8x512xf32, #tpu.memory_space<vmem>>, vector<1x512xf32>
      %get3A_302 = vector.shape_cast %get3A_301 : vector<1x512xf32> to vector<512xf32>
      %reshape3A_303 = vector.shape_cast %get3A_302 : vector<512xf32> to vector<1x512xf32>
      %mul3A_304 = arith.constant 512 : i32
      %mul3A_305 = arith.muli %arg0, %mul3A_304 : i32
      %ge3A_306 = arith.cmpi sge, %get3A_272, %mul3A_305 : i32
      %select_n3A_307 = arith.select %ge3A_306, %select_n3A_222, %reshape3A_303 : vector<1x512xf32>
      %jit3A_308 = arith.constant 512 : i32
      %eq3A_309 = arith.constant 0 : i32
      %eq3A_310 = arith.cmpi eq, %jit3A_308, %eq3A_309 : i32
      %jit3A_311 = arith.constant 1 : i32
      %select_n3A_312 = arith.select %eq3A_310, %jit3A_311, %jit3A_308 : i32
      %rem3A_313 = arith.remsi %max3A_274, %select_n3A_312 : i32
      %ne3A_314 = arith.constant 0 : i32
      %ne3A_315 = arith.cmpi ne, %rem3A_313, %ne3A_314 : i32
      %lt3A_316 = arith.constant 0 : i32
      %lt3A_317 = arith.cmpi slt, %rem3A_313, %lt3A_316 : i32
      %lt3A_318 = arith.constant 0 : i32
      %lt3A_319 = arith.cmpi slt, %select_n3A_312, %lt3A_318 : i32
      %ne3A_320 = arith.xori %lt3A_317, %lt3A_319 : i1
      %and3A_321 = arith.andi %ne3A_320, %ne3A_315 : i1
      %add3A_322 = arith.addi %rem3A_313, %select_n3A_312 : i32
      %select_n3A_323 = arith.select %and3A_321, %add3A_322, %rem3A_313 : i32
      %eq3A_324 = vector.broadcast %select_n3A_323 : i32 to vector<1x512xi32>
      %eq3A_325 = arith.cmpi eq, %iota3A, %eq3A_324 : vector<1x512xi32>
      %jit3A_326 = arith.constant 0.000000e+00 : f32
      %broadcast_in_dim3A_327 = vector.broadcast %jit3A_326 : f32 to vector<1x512xf32>
      %select_n3A_328 = arith.select %eq3A_325, %select_n3A_307, %broadcast_in_dim3A_327 : vector<1x512xi1>, vector<1x512xf32>
      %reduce_sum3A_329 = vector.shape_cast %select_n3A_328 : vector<1x512xf32> to vector<1x1x512xf32>
      %reduce_sum3A_330 = arith.constant dense<0.000000e+00> : vector<1xf32>
      %reduce_sum3A_331 = vector.multi_reduction <add>, %reduce_sum3A_329, %reduce_sum3A_330 [1, 2] : vector<1x1x512xf32> to vector<1xf32>
      %reduce_sum3A_332 = vector.shape_cast %reduce_sum3A_331 : vector<1xf32> to vector<1x1x1xf32>
      %reduce_sum3A_333 = vector.extract %reduce_sum3A_332[0, 0, 0] : f32 from vector<1x1x1xf32>
      %eq3A_334 = arith.cmpi eq, %get3A_272, %add3A_227 : i32
      %select_n3A_335 = arith.select %eq3A_334, %select_n3A_238, %reduce_sum3A_333 : f32
      %ge3A_336 = arith.constant 0 : i32
      %ge3A_337 = arith.cmpi sge, %get3A_272, %ge3A_336 : i32
      %get3A_338 = arith.index_cast %min3A_248 : i32 to index
      %get3A_339 = memref.load %arg4[%get3A_338] : memref<4096xf32, #tpu.memory_space<smem>>
      %select_n3A_340 = arith.select %ge3A_337, %select_n3A_335, %get3A_339 : f32
      %mul3A_341 = vector.broadcast %sub3A_239 : f32 to vector<1x512xf32>
      %mul3A_342 = arith.mulf %reshape3A_244, %mul3A_341 : vector<1x512xf32>
      %add3A_343 = arith.addf %add3A_216, %mul3A_342 : vector<1x512xf32>
      %eq3A_344 = vector.broadcast %scan3A_224 : i32 to vector<1x512xi32>
      %eq3A_345 = arith.cmpi eq, %iota3A, %eq3A_344 : vector<1x512xi32>
      %broadcast_in_dim3A_346 = vector.broadcast %sub3A_239 : f32 to vector<1x512xf32>
      %select_n3A_347 = arith.select %eq3A_345, %broadcast_in_dim3A_346, %select_n3A_220 : vector<1x512xi1>, vector<1x512xf32>
      %broadcast_in_dim3A_348 = vector.broadcast %select_n3A_238 : f32 to vector<1x512xf32>
      %select_n3A_349 = arith.select %eq3A_345, %broadcast_in_dim3A_348, %select_n3A_222 : vector<1x512xi1>, vector<1x512xf32>
      scf.yield %select_n3A_347, %select_n3A_349, %add3A_343, %add3A_270, %select_n3A_340 : vector<1x512xf32>, vector<1x512xf32>, vector<1x512xf32>, f32, f32
    }
    %scan3A_75 = arith.constant 512 : i32
    %reshape3A_76 = vector.shape_cast %scan3A_74#1 : vector<1x512xf32> to vector<512xf32>
    %swap3A = arith.index_cast %arg0 : i32 to index
    %swap3A_77 = arith.constant 0 : index
    %swap3A_78 = vector.load %arg8[%swap3A, %swap3A_77] : memref<8x512xf32, #tpu.memory_space<vmem>>, vector<1x512xf32>
    %swap3A_79 = vector.shape_cast %swap3A_78 : vector<1x512xf32> to vector<512xf32>
    %swap3A_80 = vector.shape_cast %reshape3A_76 : vector<512xf32> to vector<1x512xf32>
    tpu.vector_store %arg8[%swap3A, %swap3A_77], %swap3A_80 {strides = array<i32>} : memref<8x512xf32, #tpu.memory_space<vmem>>, vector<1x512xf32>,
    %get3A_81 = arith.constant 0 : index
    %get3A_82 = arith.constant 0 : index
    %get3A_83 = vector.load %arg6[%get3A_81, %get3A_82] : memref<512x4096xf32, #tpu.memory_space<vmem>>, vector<512x4096xf32>
    %dot_general3A = arith.constant dense<0.000000e+00> : vector<1x4096xf32>
    %dot_general3A_84 = tpu.matmul %scan3A_74#0, %get3A_83, %dot_general3A {dimension_numbers = #tpu.dot_dimension_numbers<[1], [0], [0], [1], [0, 0, 1, 1], [], []>, precision = #tpu.contract_precision<fp32>, transpose_lhs_hint = false} : vector<1x512xf32>, vector<512x4096xf32>, vector<1x4096xf32> -> vector<1x4096xf32>
    %get3A_85 = arith.constant 0 : index
    %get3A_86 = arith.constant 0 : index
    %get3A_87 = vector.load %arg9[%get3A_85, %get3A_86] : memref<8x512xf32, #tpu.memory_space<vmem>>, vector<8x512xf32>
    %reshape3A_88 = vector.shape_cast %dot_general3A_84 : vector<1x4096xf32> to vector<8x512xf32>
    %add3A_89 = arith.addf %get3A_87, %reshape3A_88 : vector<8x512xf32>
    %swap3A_90 = arith.constant 0 : index
    %swap3A_91 = arith.constant 0 : index
    %swap3A_92 = vector.load %arg9[%swap3A_90, %swap3A_91] : memref<8x512xf32, #tpu.memory_space<vmem>>, vector<8x512xf32>
    tpu.vector_store %arg9[%swap3A_90, %swap3A_91], %add3A_89 {strides = array<i32>} : memref<8x512xf32, #tpu.memory_space<vmem>>, vector<8x512xf32>,
    return
  }
  func.func @transform_0(%arg0: i32, %arg1: memref<4096xi32, #tpu.memory_space<smem>>, %arg2: memref<4096xf32, #tpu.memory_space<smem>>, %arg3: memref<4096xi32, #tpu.memory_space<smem>>, %arg4: memref<4096xf32, #tpu.memory_space<smem>>, %arg5: memref<8192xf32, #tpu.memory_space<smem>>) -> (i32, i32) {
    %c0_i32 = arith.constant 0 : i32
    %c0_i32_0 = arith.constant 0 : i32
    return %arg0, %c0_i32 : i32, i32
  }
  func.func @transform_1(%arg0: i32, %arg1: memref<4096xi32, #tpu.memory_space<smem>>, %arg2: memref<4096xf32, #tpu.memory_space<smem>>, %arg3: memref<4096xi32, #tpu.memory_space<smem>>, %arg4: memref<4096xf32, #tpu.memory_space<smem>>, %arg5: memref<8192xf32, #tpu.memory_space<smem>>) -> (i32, i32) {
    %c0_i32 = arith.constant 0 : i32
    return %arg0, %arg0 : i32, i32
  }
  func.func @transform_2(%arg0: i32, %arg1: memref<4096xi32, #tpu.memory_space<smem>>, %arg2: memref<4096xf32, #tpu.memory_space<smem>>, %arg3: memref<4096xi32, #tpu.memory_space<smem>>, %arg4: memref<4096xf32, #tpu.memory_space<smem>>, %arg5: memref<8192xf32, #tpu.memory_space<smem>>) -> (i32, i32) {
    %c0_i32 = arith.constant 0 : i32
    %c0_i32_0 = arith.constant 0 : i32
    %c0_i32_1 = arith.constant 0 : i32
    return %c0_i32, %c0_i32_0 : i32, i32
  }
}

</mosaic_0001>

<sc_bundles>
// kernel: gather_offload_async_start
scs
__scs_entry_jumppad:
0x0: {  	(pc) =	sbr.rel $0x88, $3  }
0x1: {  	(tag) =	ssettag $0x0;
	lr =	simm.s32 $0x1  }
0x2: {  	[smem:$0x3F9C] =	sst lr;
	_ =	strace $0xD0000000  }
0x3: {  	_ = 	snop  }
0x4: {  	_ = 	snop  }
0x5: {  	_ = 	snop  }
0x6: {  	_ = 	snop  }
0x7: {  	_ = 	snop  }
__scs_overlays_trampoline_lowered:
0x8: {  	[smem:$0x3FAB] =	sst s0  }
0x9: {  	[smem:$0x3FAC] =	sst s1  }
0xa: {  	[smem:$0x3FAD] =	sst s2  }
0xb: {  	[smem:$0x3FAE] =	sst s3  }
0xc: {  	[smem:$0x3FAF] =	sst s4  }
0xd: {  	[smem:$0x3FB0] =	sst s5  }
0xe: {  	[smem:$0x3FB1] =	sst s6  }
0xf: {  	[smem:$0x3FB2] =	sst s7  }
0x10: {  	[smem:$0x3FB3] =	sst s8  }
0x11: {  	[smem:$0x3FB4] =	sst s9;
	s0 =	simm.s32 @!p0 $0x0  }
0x12: {  	s1 =	sld [smem:$0x3F9A];
	s0 =	simm.s32 @p0 $0x1  }
0x13: {  	[smem:$0x3FB5] =	sst s0;
	s0 =	simm.s32 @!p1 $0x0  }
0x14: {  	s2 =	sld [smem:$0x3F99];
	s0 =	simm.s32 @p1 $0x1  }
0x15: {  	[smem:$0x3FB6] =	sst s0;
	s0 =	simm.s32 @!p2 $0x0  }
0x16: {  	s3 =	sld [smem:$0x3FDB];
	s0 =	simm.s32 @p2 $0x1  }
0x17: {  	s4 =	simm.s32 $0x1BF5;
	[smem:$0x3FB8] =	sst s0  }
0x18: {  	s0 =	sld [smem:$0x3F9B];
	_ =	swait.ge [sflag:s4], $0x0  }
0x19: {  	s7 =	sld [smem:$0x3F9C]  }
0x1a: {  	s8 =	sadd.s32 $0xFFFFE003, lr  }
0x1b: {  	s9 =	sadd.s32 $0xFFFFFEF7, lr;
	s5 =	simm.s32 $0xFFFFFFFF;
	p2 =	slt.u32 s8, $0xFFFFF086  }
0x1c: {  	p1 =	slt.u32 s9, $0xF7A;
	s5 =	simm.s32 @!p2 $0x0  }
0x1d: {  	s5 =	simm.s32 @p1 $0x1;
	p0 =	seq.s32 s7, s2  }
0x1e: {  	s7 =	smul.u32 @!p0 $0xF7A, s2;
	p2 =	seq.s32 @!p0 s5, $0x0  }
0x1f: {  	s9 =	smul.u32 $0xF7A, s1;
	s8 =	simm.s32 @!p0 $0x1BF5;
	p2 =	por !p2, p0  }
0x20: {  	[sflag:s8] =	ssyncset.s32 @!p0 $0xFFFFF086;
	s6 =	sadd.s32 @!p0 s3, s7;
	s7 =	simm.s32 @!p0 $0x108  }
0x21: {  	s3 =	sadd.s32 s3, s9;
	s6 =	sadd.s32 @!p0 $0x88, s6;
	s7 =	simm.s32 @p2 $0x1082  }
0x22: {  	[simem:s7], [sflag:s8] =	dma.local @!p0 [hbm:s6], $0xF7A  }
0x23: {  	s9 =	sor.u32 $0xD0000000, s2;
	s6 =	simm.s32 $0x108;
	_ =	swait.ge @!p0 [sflag:s8], $0x0  }
0x24: {  	s3 =	sadd.s32 $0x88, s3;
	s6 =	simm.s32 @!p1 $0x1082;
	[sflag:s4] =	ssyncset.s32 $0xFFFFF086  }
0x25: {  	[simem:s6], [sflag:s4] =	dma.local [hbm:s3], $0xF7A  }
0x26: {  	[smem:$0x3F9C] =	sst s1;
	(tag) =	ssettag s2;
	_ =	strace s9  }
0x27: {  	s1 =	sld [smem:$0x3FAC]  }
0x28: {  	s2 =	sld [smem:$0x3FAD]  }
0x29: {  	s4 =	sld [smem:$0x3FAF]  }
0x2a: {  	p0 =	seq.s32 s5, $0x0;
	s5 =	sld [smem:$0x3FB0]  }
0x2b: {  	s6 =	sld [smem:$0x3FB1]  }
0x2c: {  	s7 =	sld [smem:$0x3FB2]  }
0x2d: {  	s3 =	simm.s32 $0x108;
	s8 =	sld [smem:$0x3FB3]  }
0x2e: {  	s3 =	simm.s32 @!p0 $0x1082;
	s9 =	sld [smem:$0x3FB4]  }
0x2f: {  	lr =	sadd.s32 s0, s3;
	s0 =	sld [smem:$0x3FAB]  }
0x30: {  	s3 =	sld [smem:$0x3FAE]  }
0x31: {  	[smem:$0x3FB7] =	sst s10  }
0x32: {  	s10 =	sld [smem:$0x3FB5];
	_ =	sdelay $0x3  }
0x33: {  	p0 =	seq.s32 s10, $0x1;
	s10 =	sld [smem:$0x3FB7];
	_ =	sdelay $0x3  }
0x34: {  	[smem:$0x3FB7] =	sst s10  }
0x35: {  	s10 =	sld [smem:$0x3FB6];
	_ =	sdelay $0x3  }
0x36: {  	p1 =	seq.s32 s10, $0x1;
	s10 =	sld [smem:$0x3FB7];
	_ =	sdelay $0x3  }
0x37: {  	[smem:$0x3FB7] =	sst s10  }
0x38: {  	s10 =	sld [smem:$0x3FB8]  }
0x39: {  	_ = 	snop;
	(pc) =	sbr.ind lr, $3  }
0x3a: {  	_ = 	snop  }
0x3b: {  	_ = 	snop  }
0x3c: {  	p2 =	seq.s32 s10, $0x1;
	s10 =	sld [smem:$0x3FB7]  }
0x3d: {  	_ =	shalt  }
0x3e: {  	_ =	shalt  }
0x3f: {  	_ =	shalt  }
0x40: {  	_ =	shalt  }
0x41: {  	_ =	shalt  }
0x42: {  	_ =	shalt  }
0x43: {  	_ =	shalt  }
0x44: {  	_ =	shalt  }
0x45: {  	_ =	shalt  }
0x46: {  	_ =	shalt  }
0x47: {  	_ =	shalt  }
0x48: {  	_ =	shalt  }
0x49: {  	_ =	shalt  }
0x4a: {  	_ =	shalt  }
0x4b: {  	_ =	shalt  }
0x4c: {  	_ =	shalt  }
0x4d: {  	_ =	shalt  }
0x4e: {  	_ =	shalt  }
0x4f: {  	_ =	shalt  }
0x50: {  	_ =	shalt  }
0x51: {  	_ =	shalt  }
0x52: {  	_ =	shalt  }
0x53: {  	_ =	shalt  }
0x54: {  	_ =	shalt  }
0x55: {  	_ =	shalt  }
0x56: {  	_ =	shalt  }
0x57: {  	_ =	shalt  }
0x58: {  	_ =	shalt  }
0x59: {  	_ =	shalt  }
0x5a: {  	_ =	shalt  }
0x5b: {  	_ =	shalt  }
0x5c: {  	_ =	shalt  }
0x5d: {  	_ =	shalt  }
0x5e: {  	_ =	shalt  }
0x5f: {  	_ =	shalt  }
0x60: {  	_ =	shalt  }
0x61: {  	_ =	shalt  }
0x62: {  	_ =	shalt  }
0x63: {  	_ =	shalt  }
0x64: {  	_ =	shalt  }
0x65: {  	_ =	shalt  }
0x66: {  	_ =	shalt  }
0x67: {  	_ =	shalt  }
0x68: {  	_ =	shalt  }
0x69: {  	_ =	shalt  }
0x6a: {  	_ =	shalt  }
0x6b: {  	_ =	shalt  }
0x6c: {  	_ =	shalt  }
0x6d: {  	_ =	shalt  }
0x6e: {  	_ =	shalt  }
0x6f: {  	_ =	shalt  }
0x70: {  	_ =	shalt  }
0x71: {  	_ =	shalt  }
0x72: {  	_ =	shalt  }
0x73: {  	_ =	shalt  }
0x74: {  	_ =	shalt  }
0x75: {  	_ =	shalt  }
0x76: {  	_ =	shalt  }
0x77: {  	_ =	shalt  }
0x78: {  	_ =	shalt  }
0x79: {  	_ =	shalt  }
0x7a: {  	_ =	shalt  }
0x7b: {  	_ =	shalt  }
0x7c: {  	_ =	shalt  }
0x7d: {  	_ =	shalt  }
0x7e: {  	_ =	shalt  }
0x7f: {  	_ =	shalt  }
0x80: {  	_ =	shalt  }
0x81: {  	_ =	shalt  }
0x82: {  	_ =	shalt  }
0x83: {  	_ =	shalt  }
0x84: {  	_ =	shalt  }
0x85: {  	_ =	shalt  }
0x86: {  	_ =	shalt  }
0x87: {  	_ =	shalt  }
.Lfunc_end0:
.L_simem_size_0:
called_computation_lowered:
.L_overlay_start_0:
0x88: {  	s2 =	sld [smem:$0x3FD9]  }
0x89: {  	s3 =	sld [smem:$0x3FFE];
	_ =	sdelay $0x1  }
0x8a: {  	s1 =	srdreg.scid  }
0x8b: {  	s0 =	sand.u32 $0x1, s1  }
0x8c: {  	s17 =	sshll.u32 s0, $0xA;
	s2 =	sadd.s32 s3, s2  }
0x8d: {  	s2 =	sadd.s32 s2, s17  }
0x8e: {  	[smem:$0x3FC3] =	sst s2  }
0x8f: {  	_ = 	snop  }
0x90: {  	s2 =	sld [smem:$0x3FC6]  }
0x91: {  	s18 =	sld [smem:$0x3FD0];
	(tm) =	ssettm $0x1  }
0x92: {  	s4 =	sld [smem:$0x3FFB];
	_ =	sdelay $0x3  }
0x93: {  	_ =	strace s4  }
0x94: {  	s4 =	sld [smem:$0x3FFC];
	_ =	sdelay $0x3  }
0x95: {  	_ =	strace s4  }
0x96: {  	s4 =	sld [smem:$0x3FFD];
	_ =	sdelay $0x3  }
0x97: {  	_ =	strace s4  }
0x98: {  	_ =	strace $0x8FFFFFFF  }
0x99: {  	s19 =	sld [smem:$0x3FDB];
	_ =	sdelay $0x1  }
0x9a: {  	s5 =	simm.s32 $_scs_section_size  }
0x9b: {  	s6 =	simm.s32 $_size__tile_overlayer_lowered;
	s7 =	simm.s32 $_tile_overlayer_lowered  }
0x9c: {  	s22 =	simm.s32 $0x1BFF;
	s21 =	sshll.u32 s7, $0x1;
	s4 =	sadd.s32 s5, s19  }
0x9d: {  	s8 =	simm.s32 $0x0;
	s20 =	sshll.u32 s6, $0x1;
	s6 =	sadd.s32 s21, s4  }
0x9e: {  	[timem:s8], [sflag:s22] =	dma.local [hbm:s6], s20  }
0x9f: {  	_ =	swait.ge [sflag:s22], s20  }
0xa0: {  	s5 =	ssub.s32 $0x0, s20;
	[sflag:s22] =	ssyncset.done $0x0  }
0xa1: {  	[sflag:s22] =	ssyncadd.s32 s5;
	_ =	sdelay $0x1  }
0xa2: {  	s23 =	simm.s32 $0x1B8B  }
0xa3: {  	_ =	swait.ge [sflag:s23], $0x1  }
0xa4: {  	[sflag:s23] =	ssyncset.done $0x0  }
0xa5: {  	s25 =	simm.s32 $0x1B8E;
	s24 =	sld [smem:$0x3FFE];
	[sflag:s23] =	ssyncadd.s32 $0xFFFFFFFF  }
0xa6: {  	s26 =	simm.s32 $execute0_lowered;
	[smem:$0x3FD2] =	sst s25  }
0xa7: {  	s6 =	sshll.u32 s26, $0x1;
	_ =	strace $0x80000046;
	[dreg:$0x1] =	wrdreg $0xFFFFFFFF  }
0xa8: {  	s28 =	simm.s32 $_size_execute0_lowered;
	s4 =	sadd.s32 s4, s6;
	[dreg:$0x0] =	wrdreg $0x0  }
0xa9: {  	s6 =	sshll.u32 s28, $0x1;
	[dreg:$0x2] =	wrdreg s4  }
0xaa: {  	[dreg:$0x3] =	wrdreg s6  }
0xab: {  	[dreg:$0x4] =	wrdreg $0xC0  }
0xac: {  	_ =	task [dreg:s8], $0x5FFFF  }
0xad: {  	[dreg:$0x1] =	wrdreg $0xFFFFFFFF  }
0xae: {  	[dreg:$0x0] =	wrdreg $0x60  }
0xaf: {  	[dreg:$0x2] =	wrdreg s2  }
0xb0: {  	[dreg:$0x3] =	wrdreg s18  }
0xb1: {  	[dreg:$0x4] =	wrdreg s24  }
0xb2: {  	[dreg:$0x5] =	wrdreg $0x9  }
0xb3: {  	_ =	task.clear_ibuf [dreg:s8], $0x6FFFF;
	_ =	strace $0x90000046  }
0xb4: {  	s29 =	simm.s32 $0x9;
	_ =	strace $0x80000048  }
0xb5: {  	_ =	swait.ge [sflag:s29], $0x1  }
0xb6: {  	[sflag:s29] =	ssyncadd.s32 $0xFFFFFFFF  }
0xb7: {  	_ =	strace $0x90000048  }
0xb8: {  	_ =	sfence  }
0xb9: {  	s30 =	sld [smem:$0x0];
	_ =	sdelay $0x2  }
0xba: {  	s31 =	sshll.u32 s1, $0xD;
	s1 =	sshrl.u32 s1, $0x2  }
0xbb: {  	s3 =	sand.u32 $0x4000, s31;
	s1 =	sadd.s32 s1, s30  }
0xbc: {  	s0 =	sor.u32 s3, s0;
	s1 =	sshll.u32 s1, $0x11  }
0xbd: {  	s0 =	sor.u32 s1, s0  }
0xbe: {  	s0 =	sadd.s32 $0x8F2B, s0  }
0xbf: {  	[sflag:s0] =	ssyncadd.remote.s32 $0x1  }
0xc0: {  	_ =	sfence.sel $0xFFFF  }
0xc1: {  	[dreg:$0x0] =	wrdreg $0xFFFFFFFF;
	(pc) =	sbr.abs _section_cstart, $3  }
0xc2: {  	[dreg:$0x1] =	wrdreg $0xFFFFFFFF  }
0xc3: {  	_ =	task.clear_ibuf [dreg:s8], $0x2FFFF;
	_ =	strace $0x9FFFFFFF  }
0xc4: {  	(tm) =	ssettm $0x7FFFFFFF  }
0xc5: {  	_ =	shalt  }
tec
execute0_lowered:
.L_overlay_start_1:
0x0: {  	(tag) =	ssettag $0x1  }
0x1: {  	s2 =	rddreg [dreg:$0x0]  }
0x2: {  	s1 =	srdreg.scid;
	s3 =	rddreg [dreg:$0x1]  }
0x3: {  	s0 =	stileid.u32;
	s5 =	rddreg [dreg:$0x2]  }
0x4: {  	s9 =	simm.s32 $0x1;
	s10 =	simm.s32 $0x3;
	s1 =	sshll.u32 s1, $0x6  }
0x5: {  	s13 =	simm.s32 $0x0;
	s4 =	sshll.u32 s0, $0x7;
	s6 =	sand.u32 $0x40, s1  }
0x6: {  	s12 =	simm.s32 $0x0;
	s5 =	sadd.s32 $0xA00, s5;
	s4 =	sor.u32 s4, s6  }
0x7: {  	s1 =	rddreg [dreg:$0x3];
	_ =	strace $0x80000047;
	s8 =	ssub.s32 $0x1000, s4  }
.Ltmp0:
0x8: {  	s6 =	simm.s32 $0x1;
	s7 =	sand.u32 $0x7C0, s8;
	(pc) =	sbr.rel .LBB2_1-.Ltmp0, $4  }
0x9: {  	[sflag:s6] =	ssyncpa.u1 $0x0;
	s11 =	smov.u32 s4;
	p0 =	sne.s32 s7, $0x0  }
0xa: {  	s8 =	sshrl.u32 s8, $0xB;
	s7 =	simm.s32 $0x2;
	s9 =	simm.s32 @!p0 $0x0  }
0xb: {  	[sflag:s7] =	ssyncpa.u1 $0x0;
	p0 =	por $0x0, $0x0;
	s8 =	sadd.s32 s9, s8  }
0xc: {  	vm0 =	vmmov $0xffff;
	[sflag:s10] =	ssyncpa.u1 $0x0;
	s10 =	simm.s32 $0x0;
	s9 =	sadd.s32 $0x1, s8  }
.LBB2_4:
0xd: {  	v2 =	vnsel vm1, $0x0, v2  }
0xe: {  	vm1 =	vgt.s32 v0, $0x0;
	v2 =	vmin.u32 v2, $0xFFF  }
0xf: {  	v0 =	vnsel vm1, $0x0, v0  }
0x10: {  	v0 =	vmin.u32 v0, $0xFFF  }
0x11: {  	[tilespmem:s15], [sflag:$0x1] =	stream.indirect_vreg.gather [hbm4b:s2+s10], $0x1, v1, vm0, $0x4038;
	[tilespmem:$0x100] =	vst v63  }
0x12: {  	(ifvalue) =	ssetifvalue $0x7FFFFFFF  }
0x13: {  	[tilespmem:s16], [sflag:$0x1] =	stream.indirect_vreg.gather [hbm4b:s2+s10], $0x1, v2, vm0, $0x4038;
	[tilespmem:$0x100] =	vst v63  }
0x14: {  	s29 =	sadd.s32 $0x10, s16;
	(ifvalue) =	ssetifvalue $0x7FFFFFFF  }
0x15: {  	[tilespmem:s29], [sflag:$0x1] =	stream.indirect_vreg.gather [hbm4b:s2+s10], $0x1, v0, vm0, $0x4038;
	[tilespmem:$0x100] =	vst v63  }
0x16: {  	_ =	swait.ge [sflag:s6], $0x40  }
0x17: {  	s30 =	sshrl.u32 s13, $0x3;
	[sflag:s6] =	ssyncset.done $0x0  }
0x18: {  	s31 =	sand.u32 $0x7, s13;
	s15 =	sadd.s32 s5, s30;
	[sflag:s6] =	ssyncadd.s32 $0xFFFFFFC0  }
0x19: {  	[hbm4b:s15+s31] =	stream.linear.scatter [tilespmem:s14], [sflag:$0x3], $0x40, $0x38;
	[tilespmem:$0x100] =	vst v63  }
.LBB2_5:
0x1a: {  	s15 =	sadd.s32 $0x800, s11  }
0x1b: {  	p2 =	sgt.s32 s15, $0xFFF  }
0x1c: {  	s15 =	smov.u32 @p2 s4;
	p2 =	sne.s32 s12, s9  }
.Ltmp1:
0x1d: {  	p1 =	slt.u32 s12, $0x2;
	(pc) =	sbr.rel @!p2 .LBB2_6-.Ltmp1, $4  }
0x1e: {  	s14 =	simm.s32 @!p1 $0x3  }
0x1f: {  	s16 =	sadd.s32 $0x1, s12;
	_ =	swait.ge @!p1 [sflag:s14], $0x40  }
0x20: {  	s13 =	smov.u32 s11;
	p0 =	por !p0, !p0;
	[sflag:s14] =	ssyncset.done @!p1 $0x0  }
0x21: {  	s12 =	smov.u32 s16;
	s11 =	smov.u32 s15;
	[sflag:s14] =	ssyncadd.s32 @!p1 $0xFFFFFFC0  }
.LBB2_1:
0x22: {  	p1 =	sge.u32 s12, s8  }
0x23: {  	s14 =	sxor.u32 @!p1 $0xFFFFFFFF, s12  }
0x24: {  	s31 =	sadd.s32 $0xFFFFFFFF, s12;
	s15 =	sshrl.u32 @!p1 s11, $0x3;
	s14 =	sshll.u32 @!p1 s14, $0x6  }
0x25: {  	s16 =	sand.u32 @!p1 $0x7, s11;
	s15 =	sadd.s32 @!p1 s3, s15;
	s14 =	sand.u32 @!p1 $0x40, s14  }
0x26: {  	[tilespmem:s14], [sflag:$0x2] =	stream.linear.gather @!p1 [hbm4b:s15+s16], $0x40, $0x38;
	[tilespmem:$0x100] =	vst v63  }
0x27: {  	p1 =	sge.u32 s31, s8  }
.Ltmp2:
0x28: {  	_ = 	snop;
	(pc) =	sbr.rel @p1 .LBB2_5-.Ltmp2, $1  }
0x29: {  	_ =	sdelay $0x3  }
0x2a: {  	s14 =	simm.s32 $0x1  }
0x2b: {  	_ =	swait.ge [sflag:s7], $0x40;
	s14 =	simm.s32 @!p0 $0x0  }
0x2c: {  	[sflag:s7] =	ssyncset.done $0x0;
	s14 =	sshll.u32 s14, $0x6  }
0x2d: {  	[sflag:s7] =	ssyncadd.s32 $0xFFFFFFC0;
	(ifvalue) =	ssetifvalue $0x7FFFFFFF;
	v0 =	vld.msk [tilespmem:s14+$0x0 ss:$0x1], $0xffff;
	_ =	sdelay $0x4  }
0x2e: {  	s15 =	sadd.s32 $0x10, s14;
	vm1 =	vgt.s32 v0, $0x0  }
0x2f: {  	v2 =	vld.msk [tilespmem:s15+$0x0 ss:$0x1], $0xffff;
	v1 =	vnsel vm1, $0x0, v0  }
0x30: {  	v1 =	vmin.u32 v1, $0xFFF;
	_ =	sdelay $0x1  }
0x31: {  	s16 =	sshll.u32 s12, $0x6;
	s18 =	simm.s32 $0x20  }
0x32: {  	s16 =	sand.u32 $0x40, s16;
	s17 =	sadd.s32 $0x10, s15;
	s15 =	sor.u32 $0x80, s14  }
0x33: {  	s14 =	sor.u32 $0x80, s16;
	s16 =	sadd.s32 $0x10, s15;
	v0 =	vld.msk [tilespmem:s17+$0x0 ss:$0x1], $0xffff;
	vm1 =	vgt.s32 v2, $0x0;
	(ifvalue) =	ssetifvalue $0x7FFFFFFF  }
.LBB2_3:
0x34: {  	[tilespmem:s15], [sflag:$0x1] =	stream.indirect_vreg.gather [hbm4b:s2+s10], $0x1, v1, vm0, $0x4038;
	[tilespmem:$0x100] =	vst v63  }
0x35: {  	s18 =	sadd.s32 $0x10, s18  }
0x36: {  	v2 =	vnsel vm1, $0x0, v2;
	p1 =	slt.u32 s18, $0x30  }
.Ltmp3:
0x37: {  	s15 =	smov.u32 s16;
	v1 =	vmin.u32 v2, $0xFFF;
	(pc) =	sbr.rel @p1 .LBB2_3-.Ltmp3, $3  }
0x38: {  	_ =	sdelay $0x1  }
0x39: {  	s17 =	sadd.s32 $0x10, s17  }
0x3a: {  	vm1 =	vgt.s32 v0, $0x0;
	s16 =	sadd.s32 $0x10, s16;
	v2 =	vmov v0;
	(ifvalue) =	ssetifvalue $0x7FFFFFFF;
	v0 =	vld.msk [tilespmem:s17+$0x0 ss:$0x1], $0xffff  }
.Ltmp4:
0x3b: {  	_ = 	snop;
	(pc) =	sbr.rel .LBB2_4-.Ltmp4, $1  }
0x3c: {  	_ =	sdelay $0x3  }
.LBB2_6:
0x3d: {  	_ =	sfence.sel $0x180000  }
0x3e: {  	s2 =	simm.s32 $0x2;
	[bflag:$0x0] =	sbarrier.arrive $0xFFFF  }
0x3f: {  	s30 =	simm.s32 $0x3;
	[sflag:s2] =	ssyncpa.u1 $0x1  }
0x40: {  	s31 =	simm.s32 $0x1;
	[sflag:s30] =	ssyncpa.u1 $0x1  }
0x41: {  	[sflag:s31] =	ssyncpa.u1 $0x1  }
0x42: {  	p0 =	sne.s32 s0, $0x0;
	_ =	strace $0x90000047  }
0x43: {  	s0 =	sadd.s32 @!p0 $0x100000, s1;
	[bflag:$0x2] =	sbarrier.arrive $0xFFFF  }
0x44: {  	[sflag:s0] =	ssyncadd.tile.s32 @!p0 $0x1;
	_ =	shalt  }
.Lfunc_end2:
_tile_overlayer_lowered:
.L_overlay_start_2:
0x45: {  	(tag) =	ssettag $0x2  }
0x46: {  	s0 =	rddreg [dreg:$0x0];
	s2 =	stileid.u32  }
0x47: {  	s1 =	rddreg [dreg:$0x1];
	p0 =	sne.s32 s2, $0x0  }
0x48: {  	s3 =	rddreg [dreg:$0x2];
	[bflag:$0x3] =	sbarrier.arrive $0xFFFF;
	s2 =	simm.s32 @!p0 $0x1C01  }
0x49: {  	[timem:s3], [sflag:s2] =	dma.local @!p0 [hbm:s0], s1  }
0x4a: {  	s0 =	simm.s32 @!p0 $0x1  }
0x4b: {  	_ =	swait.ge @!p0 [sflag:s0], s1  }
0x4c: {  	s1 =	ssub.s32 @!p0 $0x0, s1;
	[sflag:s0] =	ssyncset.done @!p0 $0x0  }
0x4d: {  	[sflag:s0] =	ssyncadd.s32 @!p0 s1  }
0x4e: {  	[bflag:$0x3] =	sbarrier.arrive $0xFFFF  }
0x4f: {  	_ =	shalt  }

// kernel: kernel.6.cloned.1.call-start
scs
__scs_entry_jumppad:
0x0: {  	(pc) =	sbr.rel $0x88, $3  }
0x1: {  	(tag) =	ssettag $0x0;
	lr =	simm.s32 $0x1  }
0x2: {  	[smem:$0x3F9C] =	sst lr;
	_ =	strace $0xD0000000  }
0x3: {  	_ = 	snop  }
0x4: {  	_ = 	snop  }
0x5: {  	_ = 	snop  }
0x6: {  	_ = 	snop  }
0x7: {  	_ = 	snop  }
__scs_overlays_trampoline_lowered:
0x8: {  	[smem:$0x3FAB] =	sst s0  }
0x9: {  	[smem:$0x3FAC] =	sst s1  }
0xa: {  	[smem:$0x3FAD] =	sst s2  }
0xb: {  	[smem:$0x3FAE] =	sst s3  }
0xc: {  	[smem:$0x3FAF] =	sst s4  }
0xd: {  	[smem:$0x3FB0] =	sst s5  }
0xe: {  	[smem:$0x3FB1] =	sst s6  }
0xf: {  	[smem:$0x3FB2] =	sst s7  }
0x10: {  	[smem:$0x3FB3] =	sst s8  }
0x11: {  	[smem:$0x3FB4] =	sst s9;
	s0 =	simm.s32 @!p0 $0x0  }
0x12: {  	s1 =	sld [smem:$0x3F9A];
	s0 =	simm.s32 @p0 $0x1  }
0x13: {  	[smem:$0x3FB5] =	sst s0;
	s0 =	simm.s32 @!p1 $0x0  }
0x14: {  	s2 =	sld [smem:$0x3F99];
	s0 =	simm.s32 @p1 $0x1  }
0x15: {  	[smem:$0x3FB6] =	sst s0;
	s0 =	simm.s32 @!p2 $0x0  }
0x16: {  	s3 =	sld [smem:$0x3FDB];
	s0 =	simm.s32 @p2 $0x1  }
0x17: {  	s4 =	simm.s32 $0x1BF5;
	[smem:$0x3FB8] =	sst s0  }
0x18: {  	s0 =	sld [smem:$0x3F9B];
	_ =	swait.ge [sflag:s4], $0x0  }
0x19: {  	s7 =	sld [smem:$0x3F9C]  }
0x1a: {  	s8 =	sadd.s32 $0xFFFFE003, lr  }
0x1b: {  	s9 =	sadd.s32 $0xFFFFFEF7, lr;
	s5 =	simm.s32 $0xFFFFFFFF;
	p2 =	slt.u32 s8, $0xFFFFF086  }
0x1c: {  	p1 =	slt.u32 s9, $0xF7A;
	s5 =	simm.s32 @!p2 $0x0  }
0x1d: {  	s5 =	simm.s32 @p1 $0x1;
	p0 =	seq.s32 s7, s2  }
0x1e: {  	s7 =	smul.u32 @!p0 $0xF7A, s2;
	p2 =	seq.s32 @!p0 s5, $0x0  }
0x1f: {  	s9 =	smul.u32 $0xF7A, s1;
	s8 =	simm.s32 @!p0 $0x1BF5;
	p2 =	por !p2, p0  }
0x20: {  	[sflag:s8] =	ssyncset.s32 @!p0 $0xFFFFF086;
	s6 =	sadd.s32 @!p0 s3, s7;
	s7 =	simm.s32 @!p0 $0x108  }
0x21: {  	s3 =	sadd.s32 s3, s9;
	s6 =	sadd.s32 @!p0 $0x88, s6;
	s7 =	simm.s32 @p2 $0x1082  }
0x22: {  	[simem:s7], [sflag:s8] =	dma.local @!p0 [hbm:s6], $0xF7A  }
0x23: {  	s9 =	sor.u32 $0xD0000000, s2;
	s6 =	simm.s32 $0x108;
	_ =	swait.ge @!p0 [sflag:s8], $0x0  }
0x24: {  	s3 =	sadd.s32 $0x88, s3;
	s6 =	simm.s32 @!p1 $0x1082;
	[sflag:s4] =	ssyncset.s32 $0xFFFFF086  }
0x25: {  	[simem:s6], [sflag:s4] =	dma.local [hbm:s3], $0xF7A  }
0x26: {  	[smem:$0x3F9C] =	sst s1;
	(tag) =	ssettag s2;
	_ =	strace s9  }
0x27: {  	s1 =	sld [smem:$0x3FAC]  }
0x28: {  	s2 =	sld [smem:$0x3FAD]  }
0x29: {  	s4 =	sld [smem:$0x3FAF]  }
0x2a: {  	p0 =	seq.s32 s5, $0x0;
	s5 =	sld [smem:$0x3FB0]  }
0x2b: {  	s6 =	sld [smem:$0x3FB1]  }
0x2c: {  	s7 =	sld [smem:$0x3FB2]  }
0x2d: {  	s3 =	simm.s32 $0x108;
	s8 =	sld [smem:$0x3FB3]  }
0x2e: {  	s3 =	simm.s32 @!p0 $0x1082;
	s9 =	sld [smem:$0x3FB4]  }
0x2f: {  	lr =	sadd.s32 s0, s3;
	s0 =	sld [smem:$0x3FAB]  }
0x30: {  	s3 =	sld [smem:$0x3FAE]  }
0x31: {  	[smem:$0x3FB7] =	sst s10  }
0x32: {  	s10 =	sld [smem:$0x3FB5];
	_ =	sdelay $0x3  }
0x33: {  	p0 =	seq.s32 s10, $0x1;
	s10 =	sld [smem:$0x3FB7];
	_ =	sdelay $0x3  }
0x34: {  	[smem:$0x3FB7] =	sst s10  }
0x35: {  	s10 =	sld [smem:$0x3FB6];
	_ =	sdelay $0x3  }
0x36: {  	p1 =	seq.s32 s10, $0x1;
	s10 =	sld [smem:$0x3FB7];
	_ =	sdelay $0x3  }
0x37: {  	[smem:$0x3FB7] =	sst s10  }
0x38: {  	s10 =	sld [smem:$0x3FB8]  }
0x39: {  	_ = 	snop;
	(pc) =	sbr.ind lr, $3  }
0x3a: {  	_ = 	snop  }
0x3b: {  	_ = 	snop  }
0x3c: {  	p2 =	seq.s32 s10, $0x1;
	s10 =	sld [smem:$0x3FB7]  }
0x3d: {  	_ =	shalt  }
0x3e: {  	_ =	shalt  }
0x3f: {  	_ =	shalt  }
0x40: {  	_ =	shalt  }
0x41: {  	_ =	shalt  }
0x42: {  	_ =	shalt  }
0x43: {  	_ =	shalt  }
0x44: {  	_ =	shalt  }
0x45: {  	_ =	shalt  }
0x46: {  	_ =	shalt  }
0x47: {  	_ =	shalt  }
0x48: {  	_ =	shalt  }
0x49: {  	_ =	shalt  }
0x4a: {  	_ =	shalt  }
0x4b: {  	_ =	shalt  }
0x4c: {  	_ =	shalt  }
0x4d: {  	_ =	shalt  }
0x4e: {  	_ =	shalt  }
0x4f: {  	_ =	shalt  }
0x50: {  	_ =	shalt  }
0x51: {  	_ =	shalt  }
0x52: {  	_ =	shalt  }
0x53: {  	_ =	shalt  }
0x54: {  	_ =	shalt  }
0x55: {  	_ =	shalt  }
0x56: {  	_ =	shalt  }
0x57: {  	_ =	shalt  }
0x58: {  	_ =	shalt  }
0x59: {  	_ =	shalt  }
0x5a: {  	_ =	shalt  }
0x5b: {  	_ =	shalt  }
0x5c: {  	_ =	shalt  }
0x5d: {  	_ =	shalt  }
0x5e: {  	_ =	shalt  }
0x5f: {  	_ =	shalt  }
0x60: {  	_ =	shalt  }
0x61: {  	_ =	shalt  }
0x62: {  	_ =	shalt  }
0x63: {  	_ =	shalt  }
0x64: {  	_ =	shalt  }
0x65: {  	_ =	shalt  }
0x66: {  	_ =	shalt  }
0x67: {  	_ =	shalt  }
0x68: {  	_ =	shalt  }
0x69: {  	_ =	shalt  }
0x6a: {  	_ =	shalt  }
0x6b: {  	_ =	shalt  }
0x6c: {  	_ =	shalt  }
0x6d: {  	_ =	shalt  }
0x6e: {  	_ =	shalt  }
0x6f: {  	_ =	shalt  }
0x70: {  	_ =	shalt  }
0x71: {  	_ =	shalt  }
0x72: {  	_ =	shalt  }
0x73: {  	_ =	shalt  }
0x74: {  	_ =	shalt  }
0x75: {  	_ =	shalt  }
0x76: {  	_ =	shalt  }
0x77: {  	_ =	shalt  }
0x78: {  	_ =	shalt  }
0x79: {  	_ =	shalt  }
0x7a: {  	_ =	shalt  }
0x7b: {  	_ =	shalt  }
0x7c: {  	_ =	shalt  }
0x7d: {  	_ =	shalt  }
0x7e: {  	_ =	shalt  }
0x7f: {  	_ =	shalt  }
0x80: {  	_ =	shalt  }
0x81: {  	_ =	shalt  }
0x82: {  	_ =	shalt  }
0x83: {  	_ =	shalt  }
0x84: {  	_ =	shalt  }
0x85: {  	_ =	shalt  }
0x86: {  	_ =	shalt  }
0x87: {  	_ =	shalt  }
.Lfunc_end0:
.L_simem_size_0:
called_computation.1_lowered:
.L_overlay_start_0:
0x88: {  	s2 =	sld [smem:$0x3FD9]  }
0x89: {  	s3 =	sld [smem:$0x3FFE];
	_ =	sdelay $0x1  }
0x8a: {  	s1 =	srdreg.scid  }
0x8b: {  	s0 =	sand.u32 $0x1, s1  }
0x8c: {  	s17 =	sshll.u32 s0, $0xA;
	s2 =	sadd.s32 s3, s2  }
0x8d: {  	s2 =	sadd.s32 s2, s17  }
0x8e: {  	[smem:$0x3FC3] =	sst s2  }
0x8f: {  	_ = 	snop  }
0x90: {  	s4 =	sld [smem:$0x3FC9]  }
0x91: {  	s18 =	sld [smem:$0x3FC7]  }
0x92: {  	s5 =	sld [smem:$0x3FC6];
	(tm) =	ssettm $0x1  }
0x93: {  	s19 =	sld [smem:$0x3FFB];
	_ =	sdelay $0x3  }
0x94: {  	_ =	strace s19  }
0x95: {  	s2 =	sld [smem:$0x3FFC];
	_ =	sdelay $0x3  }
0x96: {  	_ =	strace s2  }
0x97: {  	s2 =	sld [smem:$0x3FFD];
	_ =	sdelay $0x3  }
0x98: {  	_ =	strace s2  }
0x99: {  	_ =	strace $0x8FFFFFFF  }
0x9a: {  	s20 =	sld [smem:$0x3FDB];
	_ =	sdelay $0x1  }
0x9b: {  	s6 =	simm.s32 $_scs_section_size  }
0x9c: {  	s7 =	simm.s32 $_size__tile_overlayer_lowered;
	s8 =	simm.s32 $_tile_overlayer_lowered  }
0x9d: {  	s9 =	simm.s32 $0x1BFF;
	s21 =	sshll.u32 s8, $0x1;
	s6 =	sadd.s32 s6, s20  }
0x9e: {  	s22 =	simm.s32 $0x0;
	s7 =	sshll.u32 s7, $0x1;
	s8 =	sadd.s32 s21, s6  }
0x9f: {  	[timem:s22], [sflag:s9] =	dma.local [hbm:s8], s7  }
0xa0: {  	_ =	swait.ge [sflag:s9], s7  }
0xa1: {  	s7 =	ssub.s32 $0x0, s7;
	[sflag:s9] =	ssyncset.done $0x0  }
0xa2: {  	[sflag:s9] =	ssyncadd.s32 s7;
	_ =	sdelay $0x1  }
0xa3: {  	s23 =	simm.s32 $0x1B8B  }
0xa4: {  	_ =	swait.ge [sflag:s23], $0x1  }
0xa5: {  	[sflag:s23] =	ssyncset.done $0x0  }
0xa6: {  	[sflag:s23] =	ssyncadd.s32 $0xFFFFFFFF  }
0xa7: {  	s7 =	sld [smem:$0x0]  }
0xa8: {  	s8 =	sand.u32 $0xFFFFFFFE, s1  }
0xa9: {  	p0 =	sne.s32 s1, s8  }
0xaa: {  	s8 =	sshll.u32 @p0 s8, $0xE  }
0xab: {  	s8 =	sadd.s32 @p0 $0x11B8D, s8;
	s9 =	sshll.u32 @p0 s7, $0x11  }
0xac: {  	s8 =	sor.u32 @p0 s9, s8  }
0xad: {  	[sflag:s8] =	ssyncadd.remote.s32 @p0 $0x1;
	_ =	sdelay $0x1  }
0xae: {  	s8 =	simm.s32 @p0 $0x1B8D  }
0xaf: {  	_ =	swait.eq @p0 [sflag:s8], $0x1  }
0xb0: {  	[sflag:s8] =	ssyncadd.s32 @p0 $0xFFFFFFFF  }
0xb1: {  	s9 =	sshll.u32 @!p0 s1, $0xE  }
0xb2: {  	s9 =	sor.u32 @!p0 $0x4000, s9;
	s8 =	simm.s32 @!p0 $0x1B8D  }
0xb3: {  	s7 =	sshll.u32 @!p0 s7, $0x11;
	s9 =	sadd.s32 @!p0 $0x11B8D, s9;
	_ =	swait.eq @!p0 [sflag:s8], $0x1  }
0xb4: {  	s7 =	sor.u32 @!p0 s7, s9;
	[sflag:s8] =	ssyncadd.s32 @!p0 $0xFFFFFFFF  }
0xb5: {  	s25 =	simm.s32 $0x1B8E;
	s24 =	sld [smem:$0x3FFE];
	[sflag:s7] =	ssyncadd.remote.s32 @!p0 $0x1  }
0xb6: {  	s26 =	simm.s32 $execute0_lowered;
	[smem:$0x3FD2] =	sst s25  }
0xb7: {  	s8 =	sshll.u32 s26, $0x1;
	_ =	strace $0x80000049;
	[dreg:$0x1] =	wrdreg $0xFFFFFFFF  }
0xb8: {  	s28 =	simm.s32 $_size_execute0_lowered;
	s6 =	sadd.s32 s6, s8;
	[dreg:$0x0] =	wrdreg $0x0  }
0xb9: {  	s8 =	sshll.u32 s28, $0x1;
	[dreg:$0x2] =	wrdreg s6  }
0xba: {  	[dreg:$0x3] =	wrdreg s8  }
0xbb: {  	[dreg:$0x4] =	wrdreg $0xC0  }
0xbc: {  	_ =	task [dreg:s22], $0x5FFFF  }
0xbd: {  	[dreg:$0x1] =	wrdreg $0xFFFFFFFF  }
0xbe: {  	[dreg:$0x0] =	wrdreg $0x60  }
0xbf: {  	[dreg:$0x2] =	wrdreg s4  }
0xc0: {  	[dreg:$0x3] =	wrdreg s5  }
0xc1: {  	[dreg:$0x4] =	wrdreg s18  }
0xc2: {  	[dreg:$0x5] =	wrdreg s24  }
0xc3: {  	[dreg:$0x6] =	wrdreg $0xA  }
0xc4: {  	_ =	task.clear_ibuf [dreg:s22], $0x7FFFF;
	_ =	strace $0x90000049  }
0xc5: {  	s29 =	simm.s32 $0xA;
	_ =	strace $0x8000004B  }
0xc6: {  	_ =	swait.ge [sflag:s29], $0x1  }
0xc7: {  	[sflag:s29] =	ssyncadd.s32 $0xFFFFFFFF  }
0xc8: {  	_ =	strace $0x9000004B  }
0xc9: {  	_ =	sfence  }
0xca: {  	s30 =	sld [smem:$0x0];
	_ =	sdelay $0x2  }
0xcb: {  	s31 =	sshll.u32 s1, $0xD;
	s1 =	sshrl.u32 s1, $0x2  }
0xcc: {  	s4 =	sand.u32 $0x4000, s31;
	s1 =	sadd.s32 s1, s30  }
0xcd: {  	s0 =	sor.u32 s4, s0;
	s1 =	sshll.u32 s1, $0x11  }
0xce: {  	s0 =	sor.u32 s1, s0  }
0xcf: {  	s0 =	sadd.s32 $0x8F2B, s0  }
0xd0: {  	[sflag:s0] =	ssyncadd.remote.s32 $0x1  }
0xd1: {  	_ =	sfence.sel $0xFFFF  }
0xd2: {  	[dreg:$0x0] =	wrdreg $0xFFFFFFFF;
	(pc) =	sbr.abs _section_cstart, $3  }
0xd3: {  	[dreg:$0x1] =	wrdreg $0xFFFFFFFF  }
0xd4: {  	_ =	task.clear_ibuf [dreg:s22], $0x2FFFF;
	_ =	strace $0x9FFFFFFF  }
0xd5: {  	(tm) =	ssettm $0x7FFFFFFF  }
tec
execute0_lowered:
.L_overlay_start_1:
0x0: {  	(tag) =	ssettag $0x1  }
0x1: {  	s1 =	rddreg [dreg:$0x0]  }
0x2: {  	s0 =	rddreg [dreg:$0x3]  }
0x3: {  	s2 =	srdreg.scid;
	s5 =	stileid.u32  }
0x4: {  	s6 =	simm.s32 $0x0;
	s10 =	simm.s32 $0x9;
	s11 =	simm.s32 $0x1000  }
0x5: {  	s13 =	simm.s32 $0x80;
	s14 =	simm.s32 $0x400;
	s15 =	simm.s32 $0x3000  }
0x6: {  	s16 =	simm.s32 $0x5000;
	s17 =	simm.s32 $0x7000;
	s18 =	simm.s32 $0x9000  }
0x7: {  	s19 =	simm.s32 $0x1;
	s20 =	simm.s32 $0xB000;
	s21 =	simm.s32 $0x2  }
0x8: {  	s22 =	simm.s32 $0xC000;
	s28 =	simm.s32 $0x5;
	s29 =	simm.s32 $0x6  }
0x9: {  	s30 =	simm.s32 $0x7;
	s31 =	simm.s32 $0x8;
	s2 =	sand.u32 $0x1, s2  }
0xa: {  	s3 =	sshll.u32 s5, $0x8;
	[smem:$0x7FF] =	sst s6;
	s4 =	sshll.u32 s2, $0x7  }
0xb: {  	s7 =	sadd.s32 $0xE00, s0;
	s5 =	sshll.u32 s5, $0xA;
	s6 =	sor.u32 s4, s3  }
0xc: {  	_ =	strace $0x8000004A;
	s23 =	ssub.s32 $0x2, s2;
	s3 =	sshrl.u32 s6, $0x3  }
0xd: {  	s2 =	sshll.u32 s2, $0x9;
	s24 =	sshrl.u32 s23, $0x1;
	s0 =	sadd.s32 s3, s0  }
0xe: {  	s25 =	sor.u32 s2, s5;
	s3 =	ssub.s32 s23, s24;
	s0 =	sadd.s32 $0xC00, s0  }
0xf: {  	s23 =	simm.s32 $0x3;
	s26 =	smax.u32 s3, $0x1;
	[dreg:$0x5] =	wrdreg s0  }
0x10: {  	s24 =	simm.s32 $0xD000;
	[dreg:$0x6] =	wrdreg s26;
	s0 =	sshrl.u32 s25, $0x2  }
0x11: {  	s25 =	simm.s32 $0x4;
	s26 =	simm.s32 $0xE000;
	v0 =	vmov s0;
	s0 =	simm.s32 $0x0  }
.LBB2_1:
0x12: {  	s2 =	rddreg [dreg:$0x1];
	s3 =	simm.s32 $0x0  }
0x13: {  	[tilespmem:s3], [sflag:$0x9] =	stream.linear.gather [hbm4b:s2+s3], $0x1000, $0x38;
	[tilespmem:$0xF080] =	vst v63  }
0x14: {  	_ =	swait.ge [sflag:s10], $0x1000  }
0x15: {  	[sflag:s10] =	ssyncset.done $0x0  }
0x16: {  	[sflag:s10] =	ssyncadd.s32 $0xFFFFF000  }
0x17: {  	s9 =	rddreg [dreg:$0x2]  }
0x18: {  	[tilespmem:s11], [sflag:$0x9] =	stream.linear.gather [hbm4b:s9+s3], $0x2000, $0x38;
	[tilespmem:$0xF080] =	vst v63  }
0x19: {  	_ =	swait.ge [sflag:s10], $0x2000  }
0x1a: {  	[sflag:s10] =	ssyncset.done $0x0  }
0x1b: {  	s3 =	simm.s32 $0x0;
	[sflag:s10] =	ssyncadd.s32 $0xFFFFE000  }
0x1c: {  	v2 =	vld.idx.msk [tilespmem:v0+s3+$0x0 ss:$0x1], $0xffff;
	_ =	sdelay $0x4  }
0x1d: {  	(v2sf) =	vpush v2, $0x0  }
0x1e: {  	(v2sf) =	vpush v2, $0x1;
	_ =	sdelay $0x1  }
0x1f: {  	(v2sf) =	vpush v2, $0x2  }
0x20: {  	(v2sf) =	vpush v2, $0x3  }
0x21: {  	(v2sf) =	vpush v2, $0x4  }
0x22: {  	(v2sf) =	vpush v2, $0x5  }
0x23: {  	(v2sf) =	vpush v2, $0x6  }
0x24: {  	(v2sf) =	vpush v2, $0x7  }
0x25: {  	(v2sf) =	vpush v2, $0x8  }
0x26: {  	(v2sf) =	vpush v2, $0x9  }
0x27: {  	s2 =	simm.s32 $0x10;
	(v2sf) =	vpush v2, $0xA  }
0x28: {  	v1 =	vld.idx.msk [tilespmem:v0+s2+$0x0 ss:$0x1], $0xffff;
	(v2sf) =	vpush v2, $0xB  }
0x29: {  	(v2sf) =	vpush v2, $0xC  }
0x2a: {  	(v2sf) =	vpush v2, $0xD  }
0x2b: {  	(v2sf) =	vpush v2, $0xE;
	s4 =	spop (v2sf)  }
0x2c: {  	(v2sf) =	vpush v2, $0xF;
	[smem:s3] =	sst s4;
	s12 =	spop (v2sf)  }
0x2d: {  	(v2sf) =	vpush v1, $0x0;
	[smem:$0x1] =	sst s12  }
0x2e: {  	s4 =	spop (v2sf)  }
0x2f: {  	(v2sf) =	vpush v1, $0x1;
	[smem:$0x2] =	sst s4  }
0x30: {  	s4 =	spop (v2sf)  }
0x31: {  	(v2sf) =	vpush v1, $0x2;
	[smem:$0x3] =	sst s4  }
0x32: {  	s4 =	spop (v2sf)  }
0x33: {  	(v2sf) =	vpush v1, $0x3;
	[smem:$0x4] =	sst s4  }
0x34: {  	s4 =	spop (v2sf)  }
0x35: {  	(v2sf) =	vpush v1, $0x4;
	[smem:$0x5] =	sst s4  }
0x36: {  	s4 =	spop (v2sf)  }
0x37: {  	(v2sf) =	vpush v1, $0x5;
	[smem:$0x6] =	sst s4  }
0x38: {  	s4 =	spop (v2sf)  }
0x39: {  	(v2sf) =	vpush v1, $0x6;
	[smem:$0x7] =	sst s4  }
0x3a: {  	s4 =	spop (v2sf)  }
0x3b: {  	(v2sf) =	vpush v1, $0x7;
	[smem:$0x8] =	sst s4  }
0x3c: {  	s4 =	spop (v2sf)  }
0x3d: {  	(v2sf) =	vpush v1, $0x8;
	[smem:$0x9] =	sst s4  }
0x3e: {  	s4 =	spop (v2sf)  }
0x3f: {  	(v2sf) =	vpush v1, $0x9;
	[smem:$0xA] =	sst s4  }
0x40: {  	s5 =	spop (v2sf)  }
0x41: {  	(v2sf) =	vpush v1, $0xA;
	[smem:$0xB] =	sst s5  }
0x42: {  	s4 =	simm.s32 $0x20;
	s5 =	spop (v2sf)  }
0x43: {  	v2 =	vld.idx.msk [tilespmem:v0+s4+$0x0 ss:$0x1], $0xffff;
	(v2sf) =	vpush v1, $0xB;
	[smem:$0xC] =	sst s5  }
0x44: {  	s5 =	spop (v2sf)  }
0x45: {  	(v2sf) =	vpush v1, $0xC;
	[smem:$0xD] =	sst s5  }
0x46: {  	s5 =	spop (v2sf)  }
0x47: {  	(v2sf) =	vpush v1, $0xD;
	[smem:$0xE] =	sst s5  }
0x48: {  	s12 =	simm.s32 $0xC0;
	s5 =	spop (v2sf)  }
.LBB2_2:
0x49: {  	p0 =	sne.s32 s12, $0x1C0;
	[smem:s3+$0xF] =	sst s5;
	s5 =	smov.u32 s12  }
0x4a: {  	(v2sf) =	vpush v1, $0xE;
	s12 =	sadd.s32 $0x40, s12;
	s3 =	smov.u32 s2;
	s2 =	smov.u32 s4  }
0x4b: {  	s4 =	spop (v2sf);
	(v2sf) =	vpush v1, $0xF  }
0x4c: {  	[smem:s3] =	sst s4;
	s4 =	spop (v2sf)  }
0x4d: {  	v1 =	vmov v2;
	(v2sf) =	vpush v2, $0x0;
	[smem:s3+$0x1] =	sst s4;
	s4 =	spop (v2sf)  }
0x4e: {  	(v2sf) =	vpush v1, $0x1;
	[smem:s3+$0x2] =	sst s4;
	s4 =	spop (v2sf)  }
0x4f: {  	(v2sf) =	vpush v1, $0x2;
	[smem:s3+$0x3] =	sst s4;
	s4 =	spop (v2sf)  }
0x50: {  	(v2sf) =	vpush v1, $0x3;
	[smem:s3+$0x4] =	sst s4;
	s4 =	spop (v2sf)  }
0x51: {  	(v2sf) =	vpush v1, $0x4;
	[smem:s3+$0x5] =	sst s4;
	s4 =	spop (v2sf)  }
0x52: {  	(v2sf) =	vpush v1, $0x5;
	[smem:s3+$0x6] =	sst s4;
	s4 =	spop (v2sf)  }
0x53: {  	(v2sf) =	vpush v1, $0x6;
	[smem:s3+$0x7] =	sst s4;
	s4 =	spop (v2sf)  }
0x54: {  	(v2sf) =	vpush v1, $0x7;
	[smem:s3+$0x8] =	sst s4;
	s4 =	spop (v2sf)  }
0x55: {  	(v2sf) =	vpush v1, $0x8;
	[smem:s3+$0x9] =	sst s4;
	s4 =	spop (v2sf)  }
0x56: {  	[smem:s3+$0xA] =	sst s4  }
.Ltmp0:
0x57: {  	(v2sf) =	vpush v1, $0x9;
	s8 =	spop (v2sf);
	(pc) =	sbr.rel @p0 .LBB2_2-.Ltmp0, $4  }
0x58: {  	s4 =	sshra.s32 s5, $0x2;
	(v2sf) =	vpush v1, $0xA;
	[smem:s3+$0xB] =	sst s8;
	s5 =	spop (v2sf)  }
0x59: {  	v2 =	vld.idx.msk [tilespmem:v0+s4+$0x0 ss:$0x1], $0xffff;
	(v2sf) =	vpush v1, $0xB;
	[smem:s3+$0xC] =	sst s5;
	s5 =	spop (v2sf)  }
0x5a: {  	(v2sf) =	vpush v1, $0xC;
	[smem:s3+$0xD] =	sst s5;
	s5 =	spop (v2sf)  }
0x5b: {  	(v2sf) =	vpush v1, $0xD;
	[smem:s3+$0xE] =	sst s5;
	s5 =	spop (v2sf)  }
0x5c: {  	v3 =	vld [tilespmem:s6+$0x0];
	_ =	sdelay $0x7  }
0x5d: {  	v3 =	vld.idx.msk [tilespmem:v3+s11+$0x0], $0xffff;
	_ =	sdelay $0x4  }
0x5e: {  	[tilespmem:$0xF000] =	vst v3  }
0x5f: {  	v3 =	vld [tilespmem:s6+$0x10];
	_ =	sdelay $0x7  }
0x60: {  	v3 =	vld.idx.msk [tilespmem:v3+s11+$0x0], $0xffff;
	_ =	sdelay $0x4  }
0x61: {  	[tilespmem:$0xF010] =	vst v3  }
0x62: {  	v3 =	vld [tilespmem:s6+$0x20];
	_ =	sdelay $0x7  }
0x63: {  	v3 =	vld.idx.msk [tilespmem:v3+s11+$0x0], $0xffff;
	_ =	sdelay $0x4  }
0x64: {  	[tilespmem:$0xF020] =	vst v3  }
0x65: {  	v3 =	vld [tilespmem:s6+$0x30];
	_ =	sdelay $0x7  }
0x66: {  	v3 =	vld.idx.msk [tilespmem:v3+s11+$0x0], $0xffff;
	_ =	sdelay $0x4  }
0x67: {  	[tilespmem:$0xF030] =	vst v3  }
0x68: {  	v3 =	vld [tilespmem:s6+$0x40];
	_ =	sdelay $0x7  }
0x69: {  	v3 =	vld.idx.msk [tilespmem:v3+s11+$0x0], $0xffff;
	_ =	sdelay $0x4  }
0x6a: {  	[tilespmem:$0xF040] =	vst v3  }
0x6b: {  	v3 =	vld [tilespmem:s6+$0x50];
	_ =	sdelay $0x6  }
0x6c: {  	(v2sf) =	vpush v1, $0xE  }
0x6d: {  	[smem:s3+$0xF] =	sst s5;
	s8 =	spop (v2sf);
	(v2sf) =	vpush v1, $0xF;
	v3 =	vld.idx.msk [tilespmem:v3+s11+$0x0], $0xffff  }
0x6e: {  	[smem:s2] =	sst s8;
	s9 =	spop (v2sf);
	(v2sf) =	vpush v2, $0x0  }
0x6f: {  	[smem:s2+$0x1] =	sst s9;
	s12 =	spop (v2sf);
	(v2sf) =	vpush v2, $0x1  }
0x70: {  	[smem:s2+$0x2] =	sst s12;
	s5 =	spop (v2sf);
	(v2sf) =	vpush v2, $0x2  }
0x71: {  	[smem:s2+$0x3] =	sst s5;
	s8 =	spop (v2sf);
	(v2sf) =	vpush v2, $0x3  }
0x72: {  	[smem:s2+$0x4] =	sst s8;
	s9 =	spop (v2sf);
	(v2sf) =	vpush v2, $0x4;
	[tilespmem:$0xF050] =	vst v3  }
0x73: {  	[smem:s2+$0x5] =	sst s9;
	s12 =	spop (v2sf);
	(v2sf) =	vpush v2, $0x5;
	v1 =	vld [tilespmem:s6+$0x60]  }
0x74: {  	[smem:s2+$0x6] =	sst s12;
	s5 =	spop (v2sf);
	(v2sf) =	vpush v2, $0x6  }
0x75: {  	[smem:s2+$0x7] =	sst s5;
	s8 =	spop (v2sf);
	(v2sf) =	vpush v2, $0x7  }
0x76: {  	[smem:s2+$0x8] =	sst s8;
	s9 =	spop (v2sf);
	(v2sf) =	vpush v2, $0x8  }
0x77: {  	[smem:s2+$0x9] =	sst s9;
	s12 =	spop (v2sf);
	(v2sf) =	vpush v2, $0x9  }
0x78: {  	[smem:s2+$0xA] =	sst s12;
	s5 =	spop (v2sf);
	(v2sf) =	vpush v2, $0xA  }
0x79: {  	[smem:s2+$0xB] =	sst s5;
	s8 =	spop (v2sf);
	(v2sf) =	vpush v2, $0xB  }
0x7a: {  	[smem:s2+$0xC] =	sst s8;
	s9 =	spop (v2sf)  }
0x7b: {  	(v2sf) =	vpush v2, $0xC;
	[smem:s2+$0xD] =	sst s9;
	s12 =	spop (v2sf);
	v1 =	vld.idx.msk [tilespmem:v1+s11+$0x0], $0xffff  }
0x7c: {  	(v2sf) =	vpush v2, $0xD;
	[smem:s2+$0xE] =	sst s12;
	s5 =	spop (v2sf)  }
0x7d: {  	(v2sf) =	vpush v2, $0xE;
	[smem:s2+$0xF] =	sst s5;
	s8 =	spop (v2sf)  }
0x7e: {  	(v2sf) =	vpush v2, $0xF;
	[smem:s4] =	sst s8;
	s9 =	spop (v2sf)  }
0x7f: {  	[smem:s4+$0x1] =	sst s9;
	s12 =	spop (v2sf)  }
0x80: {  	[smem:s4+$0x2] =	sst s12;
	s3 =	spop (v2sf);
	[tilespmem:$0xF060] =	vst v1  }
0x81: {  	[smem:s4+$0x3] =	sst s3;
	s5 =	spop (v2sf);
	v1 =	vld [tilespmem:s6+$0x70]  }
0x82: {  	[smem:s4+$0x4] =	sst s5;
	s8 =	spop (v2sf)  }
0x83: {  	[smem:s4+$0x5] =	sst s8;
	s9 =	spop (v2sf)  }
0x84: {  	[smem:s4+$0x6] =	sst s9;
	s12 =	spop (v2sf)  }
0x85: {  	[smem:s4+$0x7] =	sst s12;
	s3 =	spop (v2sf)  }
0x86: {  	[smem:s4+$0x8] =	sst s3;
	s5 =	spop (v2sf)  }
0x87: {  	[smem:s4+$0x9] =	sst s5;
	s8 =	spop (v2sf)  }
0x88: {  	[smem:s4+$0xA] =	sst s8;
	s9 =	spop (v2sf)  }
0x89: {  	[smem:s4+$0xB] =	sst s9;
	v1 =	vld.idx.msk [tilespmem:v1+s11+$0x0], $0xffff  }
0x8a: {  	s12 =	spop (v2sf);
	s9 =	rddreg [dreg:$0x5]  }
0x8b: {  	[smem:s4+$0xC] =	sst s12;
	s3 =	spop (v2sf)  }
0x8c: {  	[smem:s4+$0xD] =	sst s3;
	s5 =	spop (v2sf)  }
0x8d: {  	[smem:s4+$0xE] =	sst s5;
	s8 =	spop (v2sf)  }
0x8e: {  	s12 =	simm.s32 $0xF000;
	s3 =	simm.s32 $0x0;
	[smem:s4+$0xF] =	sst s8;
	[tilespmem:$0xF070] =	vst v1  }
0x8f: {  	[hbm4b:s9+s3] =	stream.linear.scatter [tilespmem:s12], [sflag:$0x9], $0x80, $0x38;
	[tilespmem:$0xF080] =	vst v63  }
0x90: {  	_ =	swait.ge [sflag:s10], $0x80  }
0x91: {  	[sflag:s10] =	ssyncset.done $0x0  }
0x92: {  	[sflag:s10] =	ssyncadd.s32 $0xFFFFFF80  }
0x93: {  	s5 =	sld [smem:$0x0];
	_ =	sdelay $0x2  }
0x94: {  	s8 =	sshll.u32 s5, $0xD;
	s2 =	sshll.u32 s5, $0x7  }
0x95: {  	s9 =	sld [smem:$0x1];
	s4 =	sand.u32 $0xFFFF0000, s8;
	s2 =	sand.u32 $0x380, s2  }
0x96: {  	s2 =	sor.u32 s2, s4  }
0x97: {  	s2 =	sshrl.u32 s2, $0x3  }
0x98: {  	s12 =	sshll.u32 s9, $0xD;
	s4 =	sshll.u32 s9, $0x7;
	s2 =	sadd.s32 s1, s2  }
0x99: {  	[tilespmem:s15], [sflag:$0x1] =	stream.strided.gather [hbm4b:s2+s13], $0x2000, s14, s13, $0x38;
	[tilespmem:$0xF080] =	vst v63  }
0x9a: {  	s5 =	sld [smem:$0x2];
	s4 =	sand.u32 $0x380, s4;
	s2 =	sand.u32 $0xFFFF0000, s12  }
0x9b: {  	s2 =	sor.u32 s4, s2  }
0x9c: {  	s2 =	sshrl.u32 s2, $0x3  }
0x9d: {  	s8 =	sshll.u32 s5, $0xD;
	s4 =	sshll.u32 s5, $0x7;
	s2 =	sadd.s32 s1, s2  }
0x9e: {  	[tilespmem:s16], [sflag:$0x2] =	stream.strided.gather [hbm4b:s2+s13], $0x2000, s14, s13, $0x38;
	[tilespmem:$0xF080] =	vst v63  }
0x9f: {  	s9 =	sld [smem:$0x3];
	s4 =	sand.u32 $0x380, s4;
	s2 =	sand.u32 $0xFFFF0000, s8  }
0xa0: {  	s2 =	sor.u32 s4, s2  }
0xa1: {  	s2 =	sshrl.u32 s2, $0x3  }
0xa2: {  	s12 =	sshll.u32 s9, $0xD;
	s4 =	sshll.u32 s9, $0x7;
	s2 =	sadd.s32 s1, s2  }
0xa3: {  	[tilespmem:s17], [sflag:$0x3] =	stream.strided.gather [hbm4b:s2+s13], $0x2000, s14, s13, $0x38;
	[tilespmem:$0xF080] =	vst v63  }
0xa4: {  	s4 =	sand.u32 $0x380, s4;
	s2 =	sand.u32 $0xFFFF0000, s12  }
0xa5: {  	s2 =	sor.u32 s4, s2  }
0xa6: {  	s2 =	sshrl.u32 s2, $0x3  }
0xa7: {  	s2 =	sadd.s32 s1, s2  }
0xa8: {  	[tilespmem:s18], [sflag:$0x4] =	stream.strided.gather [hbm4b:s2+s13], $0x2000, s14, s13, $0x38;
	[tilespmem:$0xF080] =	vst v63  }
.LBB2_4:
0xa9: {  	_ =	swait.ge [sflag:s19], $0x2000  }
0xaa: {  	p0 =	seq.s32 s3, $0x0;
	[sflag:s19] =	ssyncset.done $0x0  }
0xab: {  	s4 =	simm.s32 @!p0 $0x5;
	[sflag:s19] =	ssyncadd.s32 $0xFFFFE000  }
0xac: {  	_ =	swait.ge @!p0 [sflag:s4], $0x1000  }
0xad: {  	s2 =	sshll.u32 s3, $0x2;
	s5 =	simm.s32 $0x40;
	[sflag:s4] =	ssyncset.done @!p0 $0x0  }
0xae: {  	s8 =	simm.s32 $0xB040;
	[sflag:s4] =	ssyncadd.s32 @!p0 $0xFFFFF000;
	s4 =	simm.s32 $0xFFFFFFF8  }
.LBB2_5:
0xaf: {  	v1 =	vld [tilespmem:s5+$0xFFFFFFC0];
	_ =	sdelay $0x7  }
0xb0: {  	v1 =	vld.idx.msk [tilespmem:v1+s15+$0x0], $0xffff;
	_ =	sdelay $0x4  }
0xb1: {  	[tilespmem:s8+$0xFFFFFFC0] =	vst v1  }
0xb2: {  	v1 =	vld [tilespmem:s5+$0xFFFFFFD0];
	_ =	sdelay $0x7  }
0xb3: {  	v1 =	vld.idx.msk [tilespmem:v1+s15+$0x0], $0xffff;
	_ =	sdelay $0x4  }
0xb4: {  	[tilespmem:s8+$0xFFFFFFD0] =	vst v1  }
0xb5: {  	v1 =	vld [tilespmem:s5+$0xFFFFFFE0];
	_ =	sdelay $0x7  }
0xb6: {  	v1 =	vld.idx.msk [tilespmem:v1+s15+$0x0], $0xffff;
	_ =	sdelay $0x4  }
0xb7: {  	[tilespmem:s8+$0xFFFFFFE0] =	vst v1  }
0xb8: {  	v1 =	vld [tilespmem:s5+$0xFFFFFFF0];
	_ =	sdelay $0x7  }
0xb9: {  	v1 =	vld.idx.msk [tilespmem:v1+s15+$0x0], $0xffff;
	_ =	sdelay $0x4  }
0xba: {  	[tilespmem:s8+$0xFFFFFFF0] =	vst v1  }
0xbb: {  	v1 =	vld [tilespmem:s5+$0x0];
	_ =	sdelay $0x7  }
0xbc: {  	v1 =	vld.idx.msk [tilespmem:v1+s15+$0x0], $0xffff;
	_ =	sdelay $0x4  }
0xbd: {  	[tilespmem:s8+$0x0] =	vst v1  }
0xbe: {  	v1 =	vld [tilespmem:s5+$0x10];
	_ =	sdelay $0x7  }
0xbf: {  	v1 =	vld.idx.msk [tilespmem:v1+s15+$0x0], $0xffff;
	_ =	sdelay $0x4  }
0xc0: {  	[tilespmem:s8+$0x10] =	vst v1  }
0xc1: {  	v1 =	vld [tilespmem:s5+$0x20];
	_ =	sdelay $0x7  }
0xc2: {  	v1 =	vld.idx.msk [tilespmem:v1+s15+$0x0], $0xffff;
	_ =	sdelay $0x4  }
0xc3: {  	[tilespmem:s8+$0x20] =	vst v1  }
0xc4: {  	v1 =	vld [tilespmem:s5+$0x30];
	_ =	sdelay $0x6  }
0xc5: {  	s4 =	sadd.s32 $0x8, s4  }
0xc6: {  	p1 =	slt.u32 s4, $0xF8;
	v1 =	vld.idx.msk [tilespmem:v1+s15+$0x0], $0xffff  }
.Ltmp1:
0xc7: {  	_ = 	snop;
	(pc) =	sbr.rel @p1 .LBB2_5-.Ltmp1, $2  }
0xc8: {  	_ =	sdelay $0x2  }
0xc9: {  	s5 =	sadd.s32 $0x80, s5;
	[tilespmem:s8+$0x30] =	vst v1;
	s8 =	sadd.s32 $0x80, s8  }
0xca: {  	s4 =	sadd.s32 s6, s2;
	s5 =	sshll.u32 s3, $0x6  }
0xcb: {  	s9 =	smin.u32 s2, $0x7B;
	s4 =	sshll.u32 s4, $0x9;
	s12 =	sand.u32 $0x40, s5  }
0xcc: {  	s5 =	sld [smem:s9+$0x4];
	s4 =	sand.u32 $0x1FF000, s4;
	s8 =	sadd.s32 s7, s12  }
0xcd: {  	s8 =	sadd.s32 s4, s8  }
0xce: {  	[hbm4b:s8+s13] =	stream.strided.scatter [tilespmem:s20], [sflag:$0x5], $0x1000, s14, s13, $0x38;
	[tilespmem:$0xF080] =	vst v63  }
0xcf: {  	s9 =	sshll.u32 s5, $0xD;
	s5 =	sshll.u32 s5, $0x7  }
0xd0: {  	s8 =	sand.u32 $0xFFFF0000, s9;
	s5 =	sand.u32 $0x380, s5  }
0xd1: {  	s5 =	sor.u32 s5, s8  }
0xd2: {  	s5 =	sshrl.u32 s5, $0x3  }
0xd3: {  	s5 =	sadd.s32 s1, s5  }
0xd4: {  	[tilespmem:s15], [sflag:$0x1] =	stream.strided.gather [hbm4b:s5+s13], $0x2000, s14, s13, $0x38;
	[tilespmem:$0xF080] =	vst v63  }
0xd5: {  	_ =	swait.ge [sflag:s21], $0x2000  }
0xd6: {  	[sflag:s21] =	ssyncset.done $0x0  }
0xd7: {  	s5 =	simm.s32 @!p0 $0x6;
	[sflag:s21] =	ssyncadd.s32 $0xFFFFE000  }
0xd8: {  	_ =	swait.ge @!p0 [sflag:s5], $0x1000  }
0xd9: {  	s9 =	simm.s32 $0xC040;
	[sflag:s5] =	ssyncset.done @!p0 $0x0  }
0xda: {  	s8 =	simm.s32 $0x40;
	[sflag:s5] =	ssyncadd.s32 @!p0 $0xFFFFF000;
	s5 =	simm.s32 $0xFFFFFFF8  }
.LBB2_7:
0xdb: {  	v1 =	vld [tilespmem:s8+$0xFFFFFFC0];
	_ =	sdelay $0x7  }
0xdc: {  	v1 =	vld.idx.msk [tilespmem:v1+s16+$0x0], $0xffff;
	_ =	sdelay $0x4  }
0xdd: {  	[tilespmem:s9+$0xFFFFFFC0] =	vst v1  }
0xde: {  	v1 =	vld [tilespmem:s8+$0xFFFFFFD0];
	_ =	sdelay $0x7  }
0xdf: {  	v1 =	vld.idx.msk [tilespmem:v1+s16+$0x0], $0xffff;
	_ =	sdelay $0x4  }
0xe0: {  	[tilespmem:s9+$0xFFFFFFD0] =	vst v1  }
0xe1: {  	v1 =	vld [tilespmem:s8+$0xFFFFFFE0];
	_ =	sdelay $0x7  }
0xe2: {  	v1 =	vld.idx.msk [tilespmem:v1+s16+$0x0], $0xffff;
	_ =	sdelay $0x4  }
0xe3: {  	[tilespmem:s9+$0xFFFFFFE0] =	vst v1  }
0xe4: {  	v1 =	vld [tilespmem:s8+$0xFFFFFFF0];
	_ =	sdelay $0x7  }
0xe5: {  	v1 =	vld.idx.msk [tilespmem:v1+s16+$0x0], $0xffff;
	_ =	sdelay $0x4  }
0xe6: {  	[tilespmem:s9+$0xFFFFFFF0] =	vst v1  }
0xe7: {  	v1 =	vld [tilespmem:s8+$0x0];
	_ =	sdelay $0x7  }
0xe8: {  	v1 =	vld.idx.msk [tilespmem:v1+s16+$0x0], $0xffff;
	_ =	sdelay $0x4  }
0xe9: {  	[tilespmem:s9+$0x0] =	vst v1  }
0xea: {  	v1 =	vld [tilespmem:s8+$0x10];
	_ =	sdelay $0x7  }
0xeb: {  	v1 =	vld.idx.msk [tilespmem:v1+s16+$0x0], $0xffff;
	_ =	sdelay $0x4  }
0xec: {  	[tilespmem:s9+$0x10] =	vst v1  }
0xed: {  	v1 =	vld [tilespmem:s8+$0x20];
	_ =	sdelay $0x7  }
0xee: {  	v1 =	vld.idx.msk [tilespmem:v1+s16+$0x0], $0xffff;
	_ =	sdelay $0x4  }
0xef: {  	[tilespmem:s9+$0x20] =	vst v1  }
0xf0: {  	v1 =	vld [tilespmem:s8+$0x30];
	_ =	sdelay $0x6  }
0xf1: {  	s5 =	sadd.s32 $0x8, s5  }
0xf2: {  	p1 =	slt.u32 s5, $0xF8;
	v1 =	vld.idx.msk [tilespmem:v1+s16+$0x0], $0xffff  }
.Ltmp2:
0xf3: {  	_ = 	snop;
	(pc) =	sbr.rel @p1 .LBB2_7-.Ltmp2, $2  }
0xf4: {  	_ =	sdelay $0x2  }
0xf5: {  	s8 =	sadd.s32 $0x80, s8;
	[tilespmem:s9+$0x30] =	vst v1;
	s9 =	sadd.s32 $0x80, s9  }
0xf6: {  	s5 =	sadd.s32 s12, s7;
	s8 =	smin.u32 s2, $0x7A  }
0xf7: {  	s4 =	sadd.s32 s4, s5;
	s5 =	sld [smem:s8+$0x5]  }
0xf8: {  	s9 =	sadd.s32 $0x10, s4  }
0xf9: {  	[hbm4b:s9+s13] =	stream.strided.scatter [tilespmem:s22], [sflag:$0x6], $0x1000, s14, s13, $0x38;
	[tilespmem:$0xF080] =	vst v63  }
0xfa: {  	s12 =	sshll.u32 s5, $0xD;
	s5 =	sshll.u32 s5, $0x7  }
0xfb: {  	s8 =	sand.u32 $0xFFFF0000, s12;
	s5 =	sand.u32 $0x380, s5  }
0xfc: {  	s5 =	sor.u32 s5, s8  }
0xfd: {  	s5 =	sshrl.u32 s5, $0x3  }
0xfe: {  	s5 =	sadd.s32 s1, s5  }
0xff: {  	[tilespmem:s16], [sflag:$0x2] =	stream.strided.gather [hbm4b:s5+s13], $0x2000, s14, s13, $0x38;
	[tilespmem:$0xF080] =	vst v63  }
0x100: {  	_ =	swait.ge [sflag:s23], $0x2000  }
0x101: {  	[sflag:s23] =	ssyncset.done $0x0  }
0x102: {  	s5 =	simm.s32 @!p0 $0x7;
	[sflag:s23] =	ssyncadd.s32 $0xFFFFE000  }
0x103: {  	_ =	swait.ge @!p0 [sflag:s5], $0x1000  }
0x104: {  	s9 =	simm.s32 $0xD040;
	[sflag:s5] =	ssyncset.done @!p0 $0x0  }
0x105: {  	s8 =	simm.s32 $0x40;
	[sflag:s5] =	ssyncadd.s32 @!p0 $0xFFFFF000;
	s5 =	simm.s32 $0xFFFFFFF8  }
.LBB2_9:
0x106: {  	v1 =	vld [tilespmem:s8+$0xFFFFFFC0];
	_ =	sdelay $0x7  }
0x107: {  	v1 =	vld.idx.msk [tilespmem:v1+s17+$0x0], $0xffff;
	_ =	sdelay $0x4  }
0x108: {  	[tilespmem:s9+$0xFFFFFFC0] =	vst v1  }
0x109: {  	v1 =	vld [tilespmem:s8+$0xFFFFFFD0];
	_ =	sdelay $0x7  }
0x10a: {  	v1 =	vld.idx.msk [tilespmem:v1+s17+$0x0], $0xffff;
	_ =	sdelay $0x4  }
0x10b: {  	[tilespmem:s9+$0xFFFFFFD0] =	vst v1  }
0x10c: {  	v1 =	vld [tilespmem:s8+$0xFFFFFFE0];
	_ =	sdelay $0x7  }
0x10d: {  	v1 =	vld.idx.msk [tilespmem:v1+s17+$0x0], $0xffff;
	_ =	sdelay $0x4  }
0x10e: {  	[tilespmem:s9+$0xFFFFFFE0] =	vst v1  }
0x10f: {  	v1 =	vld [tilespmem:s8+$0xFFFFFFF0];
	_ =	sdelay $0x7  }
0x110: {  	v1 =	vld.idx.msk [tilespmem:v1+s17+$0x0], $0xffff;
	_ =	sdelay $0x4  }
0x111: {  	[tilespmem:s9+$0xFFFFFFF0] =	vst v1  }
0x112: {  	v1 =	vld [tilespmem:s8+$0x0];
	_ =	sdelay $0x7  }
0x113: {  	v1 =	vld.idx.msk [tilespmem:v1+s17+$0x0], $0xffff;
	_ =	sdelay $0x4  }
0x114: {  	[tilespmem:s9+$0x0] =	vst v1  }
0x115: {  	v1 =	vld [tilespmem:s8+$0x10];
	_ =	sdelay $0x7  }
0x116: {  	v1 =	vld.idx.msk [tilespmem:v1+s17+$0x0], $0xffff;
	_ =	sdelay $0x4  }
0x117: {  	[tilespmem:s9+$0x10] =	vst v1  }
0x118: {  	v1 =	vld [tilespmem:s8+$0x20];
	_ =	sdelay $0x7  }
0x119: {  	v1 =	vld.idx.msk [tilespmem:v1+s17+$0x0], $0xffff;
	_ =	sdelay $0x4  }
0x11a: {  	[tilespmem:s9+$0x20] =	vst v1  }
0x11b: {  	v1 =	vld [tilespmem:s8+$0x30];
	_ =	sdelay $0x6  }
0x11c: {  	s5 =	sadd.s32 $0x8, s5  }
0x11d: {  	p1 =	slt.u32 s5, $0xF8;
	v1 =	vld.idx.msk [tilespmem:v1+s17+$0x0], $0xffff  }
.Ltmp3:
0x11e: {  	_ = 	snop;
	(pc) =	sbr.rel @p1 .LBB2_9-.Ltmp3, $2  }
0x11f: {  	_ =	sdelay $0x2  }
0x120: {  	s8 =	sadd.s32 $0x80, s8;
	[tilespmem:s9+$0x30] =	vst v1;
	s9 =	sadd.s32 $0x80, s9  }
0x121: {  	s5 =	smin.u32 s2, $0x79  }
0x122: {  	s5 =	sld [smem:s5+$0x6]  }
0x123: {  	s8 =	sadd.s32 $0x20, s4  }
0x124: {  	[hbm4b:s8+s13] =	stream.strided.scatter [tilespmem:s24], [sflag:$0x7], $0x1000, s14, s13, $0x38;
	[tilespmem:$0xF080] =	vst v63  }
0x125: {  	s12 =	sshll.u32 s5, $0xD;
	s5 =	sshll.u32 s5, $0x7  }
0x126: {  	s8 =	sand.u32 $0xFFFF0000, s12;
	s5 =	sand.u32 $0x380, s5  }
0x127: {  	s5 =	sor.u32 s5, s8  }
0x128: {  	s5 =	sshrl.u32 s5, $0x3  }
0x129: {  	s5 =	sadd.s32 s1, s5  }
0x12a: {  	[tilespmem:s17], [sflag:$0x3] =	stream.strided.gather [hbm4b:s5+s13], $0x2000, s14, s13, $0x38;
	[tilespmem:$0xF080] =	vst v63  }
0x12b: {  	_ =	swait.ge [sflag:s25], $0x2000  }
0x12c: {  	[sflag:s25] =	ssyncset.done $0x0  }
0x12d: {  	s5 =	simm.s32 @!p0 $0x8;
	[sflag:s25] =	ssyncadd.s32 $0xFFFFE000  }
0x12e: {  	_ =	swait.ge @!p0 [sflag:s5], $0x1000  }
0x12f: {  	s9 =	simm.s32 $0xE040;
	[sflag:s5] =	ssyncset.done @!p0 $0x0  }
0x130: {  	s8 =	simm.s32 $0x40;
	[sflag:s5] =	ssyncadd.s32 @!p0 $0xFFFFF000;
	s5 =	simm.s32 $0xFFFFFFF8  }
.LBB2_11:
0x131: {  	v1 =	vld [tilespmem:s8+$0xFFFFFFC0];
	_ =	sdelay $0x7  }
0x132: {  	v1 =	vld.idx.msk [tilespmem:v1+s18+$0x0], $0xffff;
	_ =	sdelay $0x4  }
0x133: {  	[tilespmem:s9+$0xFFFFFFC0] =	vst v1  }
0x134: {  	v1 =	vld [tilespmem:s8+$0xFFFFFFD0];
	_ =	sdelay $0x7  }
0x135: {  	v1 =	vld.idx.msk [tilespmem:v1+s18+$0x0], $0xffff;
	_ =	sdelay $0x4  }
0x136: {  	[tilespmem:s9+$0xFFFFFFD0] =	vst v1  }
0x137: {  	v1 =	vld [tilespmem:s8+$0xFFFFFFE0];
	_ =	sdelay $0x7  }
0x138: {  	v1 =	vld.idx.msk [tilespmem:v1+s18+$0x0], $0xffff;
	_ =	sdelay $0x4  }
0x139: {  	[tilespmem:s9+$0xFFFFFFE0] =	vst v1  }
0x13a: {  	v1 =	vld [tilespmem:s8+$0xFFFFFFF0];
	_ =	sdelay $0x7  }
0x13b: {  	v1 =	vld.idx.msk [tilespmem:v1+s18+$0x0], $0xffff;
	_ =	sdelay $0x4  }
0x13c: {  	[tilespmem:s9+$0xFFFFFFF0] =	vst v1  }
0x13d: {  	v1 =	vld [tilespmem:s8+$0x0];
	_ =	sdelay $0x7  }
0x13e: {  	v1 =	vld.idx.msk [tilespmem:v1+s18+$0x0], $0xffff;
	_ =	sdelay $0x4  }
0x13f: {  	[tilespmem:s9+$0x0] =	vst v1  }
0x140: {  	v1 =	vld [tilespmem:s8+$0x10];
	_ =	sdelay $0x7  }
0x141: {  	v1 =	vld.idx.msk [tilespmem:v1+s18+$0x0], $0xffff;
	_ =	sdelay $0x4  }
0x142: {  	[tilespmem:s9+$0x10] =	vst v1  }
0x143: {  	v1 =	vld [tilespmem:s8+$0x20];
	_ =	sdelay $0x7  }
0x144: {  	v1 =	vld.idx.msk [tilespmem:v1+s18+$0x0], $0xffff;
	_ =	sdelay $0x4  }
0x145: {  	[tilespmem:s9+$0x20] =	vst v1  }
0x146: {  	v1 =	vld [tilespmem:s8+$0x30];
	_ =	sdelay $0x6  }
0x147: {  	s5 =	sadd.s32 $0x8, s5  }
0x148: {  	p0 =	slt.u32 s5, $0xF8;
	v1 =	vld.idx.msk [tilespmem:v1+s18+$0x0], $0xffff  }
.Ltmp4:
0x149: {  	_ = 	snop;
	(pc) =	sbr.rel @p0 .LBB2_11-.Ltmp4, $2  }
0x14a: {  	_ =	sdelay $0x2  }
0x14b: {  	s8 =	sadd.s32 $0x80, s8;
	[tilespmem:s9+$0x30] =	vst v1;
	s9 =	sadd.s32 $0x80, s9  }
0x14c: {  	s2 =	smin.u32 s2, $0x78  }
0x14d: {  	s2 =	sld [smem:s2+$0x7]  }
0x14e: {  	s4 =	sadd.s32 $0x30, s4;
	s3 =	sadd.s32 $0x1, s3  }
0x14f: {  	[hbm4b:s4+s13] =	stream.strided.scatter [tilespmem:s26], [sflag:$0x8], $0x1000, s14, s13, $0x38;
	[tilespmem:$0xF080] =	vst v63  }
0x150: {  	p0 =	sne.s32 s3, $0x20;
	s12 =	sshll.u32 s2, $0xD;
	s2 =	sshll.u32 s2, $0x7  }
.Ltmp5:
0x151: {  	s4 =	sand.u32 $0xFFFF0000, s12;
	s2 =	sand.u32 $0x380, s2;
	(pc) =	sbr.rel @p0 .LBB2_4-.Ltmp5, $4  }
0x152: {  	s2 =	sor.u32 s2, s4  }
0x153: {  	s2 =	sshrl.u32 s2, $0x3  }
0x154: {  	s2 =	sadd.s32 s1, s2  }
0x155: {  	[tilespmem:s18], [sflag:$0x4] =	stream.strided.gather [hbm4b:s2+s13], $0x2000, s14, s13, $0x38;
	[tilespmem:$0xF080] =	vst v63  }
0x156: {  	_ =	swait.ge [sflag:s19], $0x2000  }
0x157: {  	[sflag:s19] =	ssyncset.done $0x0  }
0x158: {  	[sflag:s19] =	ssyncadd.s32 $0xFFFFE000  }
0x159: {  	_ =	swait.ge [sflag:s28], $0x1000  }
0x15a: {  	[sflag:s28] =	ssyncset.done $0x0  }
0x15b: {  	[sflag:s28] =	ssyncadd.s32 $0xFFFFF000  }
0x15c: {  	_ =	swait.ge [sflag:s21], $0x2000  }
0x15d: {  	[sflag:s21] =	ssyncset.done $0x0  }
0x15e: {  	[sflag:s21] =	ssyncadd.s32 $0xFFFFE000  }
0x15f: {  	_ =	swait.ge [sflag:s29], $0x1000  }
0x160: {  	[sflag:s29] =	ssyncset.done $0x0  }
0x161: {  	[sflag:s29] =	ssyncadd.s32 $0xFFFFF000  }
0x162: {  	_ =	swait.ge [sflag:s23], $0x2000  }
0x163: {  	[sflag:s23] =	ssyncset.done $0x0  }
0x164: {  	[sflag:s23] =	ssyncadd.s32 $0xFFFFE000  }
0x165: {  	_ =	swait.ge [sflag:s30], $0x1000  }
0x166: {  	[sflag:s30] =	ssyncset.done $0x0  }
0x167: {  	[sflag:s30] =	ssyncadd.s32 $0xFFFFF000  }
0x168: {  	_ =	swait.ge [sflag:s25], $0x2000  }
0x169: {  	[sflag:s25] =	ssyncset.done $0x0  }
0x16a: {  	[sflag:s25] =	ssyncadd.s32 $0xFFFFE000  }
0x16b: {  	_ =	swait.ge [sflag:s31], $0x1000  }
0x16c: {  	s0 =	sadd.s32 $0x1, s0;
	s2 =	rddreg [dreg:$0x6]  }
0x16d: {  	p0 =	sne.s32 s0, s2  }
.Ltmp6:
0x16e: {  	_ = 	snop;
	(pc) =	sbr.rel @p0 .LBB2_1-.Ltmp6, $3  }
0x16f: {  	_ =	sdelay $0x1  }
0x170: {  	[sflag:s31] =	ssyncset.done $0x0  }
0x171: {  	[sflag:s31] =	ssyncadd.s32 $0xFFFFF000  }
0x172: {  	_ =	sfence.sel $0x180000  }
0x173: {  	[bflag:$0x0] =	sbarrier.arrive $0xFFFF  }
0x174: {  	_ =	strace $0x9000004A  }
0x175: {  	s0 =	stileid.u32;
	[bflag:$0x2] =	sbarrier.arrive $0xFFFF  }
0x176: {  	p0 =	sne.s32 s0, $0x0;
	s0 =	rddreg [dreg:$0x4]  }
0x177: {  	s0 =	sadd.s32 @!p0 $0x100000, s0  }
0x178: {  	[sflag:s0] =	ssyncadd.tile.s32 @!p0 $0x1;
	_ =	shalt  }
.Lfunc_end2:
_tile_overlayer_lowered:
.L_overlay_start_2:
0x179: {  	(tag) =	ssettag $0x2  }
0x17a: {  	s0 =	rddreg [dreg:$0x0];
	s2 =	stileid.u32  }
0x17b: {  	s1 =	rddreg [dreg:$0x1];
	p0 =	sne.s32 s2, $0x0  }
0x17c: {  	s3 =	rddreg [dreg:$0x2];
	[bflag:$0x3] =	sbarrier.arrive $0xFFFF;
	s2 =	simm.s32 @!p0 $0x1C09  }
0x17d: {  	[timem:s3], [sflag:s2] =	dma.local @!p0 [hbm:s0], s1  }
0x17e: {  	s0 =	simm.s32 @!p0 $0x9  }
0x17f: {  	_ =	swait.ge @!p0 [sflag:s0], s1  }
0x180: {  	s1 =	ssub.s32 @!p0 $0x0, s1;
	[sflag:s0] =	ssyncset.done @!p0 $0x0  }
0x181: {  	[sflag:s0] =	ssyncadd.s32 @!p0 s1  }
0x182: {  	[bflag:$0x3] =	sbarrier.arrive $0xFFFF  }
0x183: {  	_ =	shalt  }

// kernel: kernel.9.cloned.1.call-start
scs
__scs_entry_jumppad:
0x0: {  	(pc) =	sbr.rel $0x88, $3  }
0x1: {  	(tag) =	ssettag $0x0;
	lr =	simm.s32 $0x1  }
0x2: {  	[smem:$0x3F9C] =	sst lr;
	_ =	strace $0xD0000000  }
0x3: {  	_ = 	snop  }
0x4: {  	_ = 	snop  }
0x5: {  	_ = 	snop  }
0x6: {  	_ = 	snop  }
0x7: {  	_ = 	snop  }
__scs_overlays_trampoline_lowered:
0x8: {  	[smem:$0x3FAB] =	sst s0  }
0x9: {  	[smem:$0x3FAC] =	sst s1  }
0xa: {  	[smem:$0x3FAD] =	sst s2  }
0xb: {  	[smem:$0x3FAE] =	sst s3  }
0xc: {  	[smem:$0x3FAF] =	sst s4  }
0xd: {  	[smem:$0x3FB0] =	sst s5  }
0xe: {  	[smem:$0x3FB1] =	sst s6  }
0xf: {  	[smem:$0x3FB2] =	sst s7  }
0x10: {  	[smem:$0x3FB3] =	sst s8  }
0x11: {  	[smem:$0x3FB4] =	sst s9;
	s0 =	simm.s32 @!p0 $0x0  }
0x12: {  	s1 =	sld [smem:$0x3F9A];
	s0 =	simm.s32 @p0 $0x1  }
0x13: {  	[smem:$0x3FB5] =	sst s0;
	s0 =	simm.s32 @!p1 $0x0  }
0x14: {  	s2 =	sld [smem:$0x3F99];
	s0 =	simm.s32 @p1 $0x1  }
0x15: {  	[smem:$0x3FB6] =	sst s0;
	s0 =	simm.s32 @!p2 $0x0  }
0x16: {  	s3 =	sld [smem:$0x3FDB];
	s0 =	simm.s32 @p2 $0x1  }
0x17: {  	s4 =	simm.s32 $0x1BF5;
	[smem:$0x3FB8] =	sst s0  }
0x18: {  	s0 =	sld [smem:$0x3F9B];
	_ =	swait.ge [sflag:s4], $0x0  }
0x19: {  	s7 =	sld [smem:$0x3F9C]  }
0x1a: {  	s8 =	sadd.s32 $0xFFFFE003, lr  }
0x1b: {  	s9 =	sadd.s32 $0xFFFFFEF7, lr;
	s5 =	simm.s32 $0xFFFFFFFF;
	p2 =	slt.u32 s8, $0xFFFFF086  }
0x1c: {  	p1 =	slt.u32 s9, $0xF7A;
	s5 =	simm.s32 @!p2 $0x0  }
0x1d: {  	s5 =	simm.s32 @p1 $0x1;
	p0 =	seq.s32 s7, s2  }
0x1e: {  	s7 =	smul.u32 @!p0 $0xF7A, s2;
	p2 =	seq.s32 @!p0 s5, $0x0  }
0x1f: {  	s9 =	smul.u32 $0xF7A, s1;
	s8 =	simm.s32 @!p0 $0x1BF5;
	p2 =	por !p2, p0  }
0x20: {  	[sflag:s8] =	ssyncset.s32 @!p0 $0xFFFFF086;
	s6 =	sadd.s32 @!p0 s3, s7;
	s7 =	simm.s32 @!p0 $0x108  }
0x21: {  	s3 =	sadd.s32 s3, s9;
	s6 =	sadd.s32 @!p0 $0x88, s6;
	s7 =	simm.s32 @p2 $0x1082  }
0x22: {  	[simem:s7], [sflag:s8] =	dma.local @!p0 [hbm:s6], $0xF7A  }
0x23: {  	s9 =	sor.u32 $0xD0000000, s2;
	s6 =	simm.s32 $0x108;
	_ =	swait.ge @!p0 [sflag:s8], $0x0  }
0x24: {  	s3 =	sadd.s32 $0x88, s3;
	s6 =	simm.s32 @!p1 $0x1082;
	[sflag:s4] =	ssyncset.s32 $0xFFFFF086  }
0x25: {  	[simem:s6], [sflag:s4] =	dma.local [hbm:s3], $0xF7A  }
0x26: {  	[smem:$0x3F9C] =	sst s1;
	(tag) =	ssettag s2;
	_ =	strace s9  }
0x27: {  	s1 =	sld [smem:$0x3FAC]  }
0x28: {  	s2 =	sld [smem:$0x3FAD]  }
0x29: {  	s4 =	sld [smem:$0x3FAF]  }
0x2a: {  	p0 =	seq.s32 s5, $0x0;
	s5 =	sld [smem:$0x3FB0]  }
0x2b: {  	s6 =	sld [smem:$0x3FB1]  }
0x2c: {  	s7 =	sld [smem:$0x3FB2]  }
0x2d: {  	s3 =	simm.s32 $0x108;
	s8 =	sld [smem:$0x3FB3]  }
0x2e: {  	s3 =	simm.s32 @!p0 $0x1082;
	s9 =	sld [smem:$0x3FB4]  }
0x2f: {  	lr =	sadd.s32 s0, s3;
	s0 =	sld [smem:$0x3FAB]  }
0x30: {  	s3 =	sld [smem:$0x3FAE]  }
0x31: {  	[smem:$0x3FB7] =	sst s10  }
0x32: {  	s10 =	sld [smem:$0x3FB5];
	_ =	sdelay $0x3  }
0x33: {  	p0 =	seq.s32 s10, $0x1;
	s10 =	sld [smem:$0x3FB7];
	_ =	sdelay $0x3  }
0x34: {  	[smem:$0x3FB7] =	sst s10  }
0x35: {  	s10 =	sld [smem:$0x3FB6];
	_ =	sdelay $0x3  }
0x36: {  	p1 =	seq.s32 s10, $0x1;
	s10 =	sld [smem:$0x3FB7];
	_ =	sdelay $0x3  }
0x37: {  	[smem:$0x3FB7] =	sst s10  }
0x38: {  	s10 =	sld [smem:$0x3FB8]  }
0x39: {  	_ = 	snop;
	(pc) =	sbr.ind lr, $3  }
0x3a: {  	_ = 	snop  }
0x3b: {  	_ = 	snop  }
0x3c: {  	p2 =	seq.s32 s10, $0x1;
	s10 =	sld [smem:$0x3FB7]  }
0x3d: {  	_ =	shalt  }
0x3e: {  	_ =	shalt  }
0x3f: {  	_ =	shalt  }
0x40: {  	_ =	shalt  }
0x41: {  	_ =	shalt  }
0x42: {  	_ =	shalt  }
0x43: {  	_ =	shalt  }
0x44: {  	_ =	shalt  }
0x45: {  	_ =	shalt  }
0x46: {  	_ =	shalt  }
0x47: {  	_ =	shalt  }
0x48: {  	_ =	shalt  }
0x49: {  	_ =	shalt  }
0x4a: {  	_ =	shalt  }
0x4b: {  	_ =	shalt  }
0x4c: {  	_ =	shalt  }
0x4d: {  	_ =	shalt  }
0x4e: {  	_ =	shalt  }
0x4f: {  	_ =	shalt  }
0x50: {  	_ =	shalt  }
0x51: {  	_ =	shalt  }
0x52: {  	_ =	shalt  }
0x53: {  	_ =	shalt  }
0x54: {  	_ =	shalt  }
0x55: {  	_ =	shalt  }
0x56: {  	_ =	shalt  }
0x57: {  	_ =	shalt  }
0x58: {  	_ =	shalt  }
0x59: {  	_ =	shalt  }
0x5a: {  	_ =	shalt  }
0x5b: {  	_ =	shalt  }
0x5c: {  	_ =	shalt  }
0x5d: {  	_ =	shalt  }
0x5e: {  	_ =	shalt  }
0x5f: {  	_ =	shalt  }
0x60: {  	_ =	shalt  }
0x61: {  	_ =	shalt  }
0x62: {  	_ =	shalt  }
0x63: {  	_ =	shalt  }
0x64: {  	_ =	shalt  }
0x65: {  	_ =	shalt  }
0x66: {  	_ =	shalt  }
0x67: {  	_ =	shalt  }
0x68: {  	_ =	shalt  }
0x69: {  	_ =	shalt  }
0x6a: {  	_ =	shalt  }
0x6b: {  	_ =	shalt  }
0x6c: {  	_ =	shalt  }
0x6d: {  	_ =	shalt  }
0x6e: {  	_ =	shalt  }
0x6f: {  	_ =	shalt  }
0x70: {  	_ =	shalt  }
0x71: {  	_ =	shalt  }
0x72: {  	_ =	shalt  }
0x73: {  	_ =	shalt  }
0x74: {  	_ =	shalt  }
0x75: {  	_ =	shalt  }
0x76: {  	_ =	shalt  }
0x77: {  	_ =	shalt  }
0x78: {  	_ =	shalt  }
0x79: {  	_ =	shalt  }
0x7a: {  	_ =	shalt  }
0x7b: {  	_ =	shalt  }
0x7c: {  	_ =	shalt  }
0x7d: {  	_ =	shalt  }
0x7e: {  	_ =	shalt  }
0x7f: {  	_ =	shalt  }
0x80: {  	_ =	shalt  }
0x81: {  	_ =	shalt  }
0x82: {  	_ =	shalt  }
0x83: {  	_ =	shalt  }
0x84: {  	_ =	shalt  }
0x85: {  	_ =	shalt  }
0x86: {  	_ =	shalt  }
0x87: {  	_ =	shalt  }
.Lfunc_end0:
.L_simem_size_0:
called_computation.2_lowered:
.L_overlay_start_0:
0x88: {  	s2 =	sld [smem:$0x3FD9]  }
0x89: {  	s3 =	sld [smem:$0x3FFE];
	_ =	sdelay $0x1  }
0x8a: {  	s1 =	srdreg.scid  }
0x8b: {  	s0 =	sand.u32 $0x1, s1  }
0x8c: {  	s17 =	sshll.u32 s0, $0xA;
	s2 =	sadd.s32 s3, s2  }
0x8d: {  	s2 =	sadd.s32 s2, s17  }
0x8e: {  	[smem:$0x3FC3] =	sst s2  }
0x8f: {  	_ = 	snop  }
0x90: {  	s2 =	sld [smem:$0x3FC7]  }
0x91: {  	s18 =	sld [smem:$0x3FC6]  }
0x92: {  	s4 =	sld [smem:$0x3FD0];
	(tm) =	ssettm $0x1  }
0x93: {  	s5 =	sld [smem:$0x3FFB];
	_ =	sdelay $0x3  }
0x94: {  	_ =	strace s5  }
0x95: {  	s5 =	sld [smem:$0x3FFC];
	_ =	sdelay $0x3  }
0x96: {  	_ =	strace s5  }
0x97: {  	s5 =	sld [smem:$0x3FFD];
	_ =	sdelay $0x3  }
0x98: {  	_ =	strace s5  }
0x99: {  	_ =	strace $0x8FFFFFFF  }
0x9a: {  	s19 =	sld [smem:$0x3FDB];
	_ =	sdelay $0x1  }
0x9b: {  	s6 =	simm.s32 $_scs_section_size  }
0x9c: {  	s7 =	simm.s32 $_size__tile_overlayer_lowered;
	s8 =	simm.s32 $_tile_overlayer_lowered  }
0x9d: {  	s22 =	simm.s32 $0x1BFF;
	s21 =	sshll.u32 s8, $0x1;
	s5 =	sadd.s32 s6, s19  }
0x9e: {  	s9 =	simm.s32 $0x0;
	s20 =	sshll.u32 s7, $0x1;
	s7 =	sadd.s32 s21, s5  }
0x9f: {  	[timem:s9], [sflag:s22] =	dma.local [hbm:s7], s20  }
0xa0: {  	_ =	swait.ge [sflag:s22], s20  }
0xa1: {  	s6 =	ssub.s32 $0x0, s20;
	[sflag:s22] =	ssyncset.done $0x0  }
0xa2: {  	[sflag:s22] =	ssyncadd.s32 s6;
	_ =	sdelay $0x1  }
0xa3: {  	s23 =	simm.s32 $0x1B8B  }
0xa4: {  	_ =	swait.ge [sflag:s23], $0x1  }
0xa5: {  	[sflag:s23] =	ssyncset.done $0x0  }
0xa6: {  	s25 =	simm.s32 $0x1B8E;
	s24 =	sld [smem:$0x3FFE];
	[sflag:s23] =	ssyncadd.s32 $0xFFFFFFFF  }
0xa7: {  	s26 =	simm.s32 $execute0_lowered;
	[smem:$0x3FD2] =	sst s25  }
0xa8: {  	s7 =	sshll.u32 s26, $0x1;
	_ =	strace $0x8000004C;
	[dreg:$0x1] =	wrdreg $0xFFFFFFFF  }
0xa9: {  	s28 =	simm.s32 $_size_execute0_lowered;
	s5 =	sadd.s32 s5, s7;
	[dreg:$0x0] =	wrdreg $0x0  }
0xaa: {  	s7 =	sshll.u32 s28, $0x1;
	[dreg:$0x2] =	wrdreg s5  }
0xab: {  	[dreg:$0x3] =	wrdreg s7  }
0xac: {  	[dreg:$0x4] =	wrdreg $0xC0  }
0xad: {  	_ =	task [dreg:s9], $0x5FFFF  }
0xae: {  	[dreg:$0x1] =	wrdreg $0xFFFFFFFF  }
0xaf: {  	[dreg:$0x0] =	wrdreg $0x60  }
0xb0: {  	[dreg:$0x2] =	wrdreg s2  }
0xb1: {  	[dreg:$0x3] =	wrdreg s18  }
0xb2: {  	[dreg:$0x4] =	wrdreg s24  }
0xb3: {  	[dreg:$0x5] =	wrdreg s4  }
0xb4: {  	[dreg:$0x6] =	wrdreg $0x9  }
0xb5: {  	_ =	task.clear_ibuf [dreg:s9], $0x7FFFF;
	_ =	strace $0x9000004C  }
0xb6: {  	s29 =	simm.s32 $0x9;
	_ =	strace $0x8000004E  }
0xb7: {  	_ =	swait.ge [sflag:s29], $0x1  }
0xb8: {  	[sflag:s29] =	ssyncadd.s32 $0xFFFFFFFF  }
0xb9: {  	_ =	strace $0x9000004E  }
0xba: {  	_ =	sfence  }
0xbb: {  	s30 =	sld [smem:$0x0];
	_ =	sdelay $0x2  }
0xbc: {  	s31 =	sshll.u32 s1, $0xD;
	s1 =	sshrl.u32 s1, $0x2  }
0xbd: {  	s3 =	sand.u32 $0x4000, s31;
	s1 =	sadd.s32 s1, s30  }
0xbe: {  	s0 =	sor.u32 s3, s0;
	s1 =	sshll.u32 s1, $0x11  }
0xbf: {  	s0 =	sor.u32 s1, s0  }
0xc0: {  	s0 =	sadd.s32 $0x8F2B, s0  }
0xc1: {  	[sflag:s0] =	ssyncadd.remote.s32 $0x1  }
0xc2: {  	_ =	sfence.sel $0xFFFF  }
0xc3: {  	[dreg:$0x0] =	wrdreg $0xFFFFFFFF;
	(pc) =	sbr.abs _section_cstart, $3  }
0xc4: {  	[dreg:$0x1] =	wrdreg $0xFFFFFFFF  }
0xc5: {  	_ =	task.clear_ibuf [dreg:s9], $0x2FFFF;
	_ =	strace $0x9FFFFFFF  }
0xc6: {  	(tm) =	ssettm $0x7FFFFFFF  }
0xc7: {  	_ =	shalt  }
tec
execute0_lowered:
.L_overlay_start_1:
0x0: {  	(tag) =	ssettag $0x1  }
0x1: {  	s1 =	srdreg.scid  }
0x2: {  	s5 =	sand.u32 $0x1, s1;
	s1 =	stileid.u32  }
0x3: {  	s7 =	sshll.u32 s1, $0x1;
	s8 =	ssub.s32 $0x0, s5  }
0x4: {  	p0 =	sne.s32 s7, s8  }
.Ltmp0:
0x5: {  	s0 =	rddreg [dreg:$0x0];
	(pc) =	sbr.rel @p0 .LBB2_5-.Ltmp0, $4  }
0x6: {  	s2 =	rddreg [dreg:$0x1]  }
0x7: {  	s6 =	rddreg [dreg:$0x2]  }
0x8: {  	s4 =	rddreg [dreg:$0x3]  }
0x9: {  	s3 =	rddreg [dreg:$0x4];
	_ =	strace $0x8000004D  }
0xa: {  	s5 =	ssub.s32 $0x2, s5;
	s8 =	simm.s32 $0x0;
	s9 =	simm.s32 $0x1  }
0xb: {  	s10 =	simm.s32 $0x2000;
	s11 =	simm.s32 $0x3000;
	s7 =	sshrl.u32 s5, $0x1  }
0xc: {  	s12 =	simm.s32 $0x4000;
	s13 =	simm.s32 $0x0;
	s7 =	ssub.s32 s5, s7  }
0xd: {  	s5 =	sadd.s32 $0x800, s6;
	s6 =	sadd.s32 $0x600, s6;
	s7 =	smax.u32 s7, $0x1  }
.LBB2_2:
0xe: {  	[tilespmem:s8], [sflag:$0x1] =	stream.linear.gather [hbm4b:s0+s8], $0x2000, $0x38;
	[tilespmem:$0x5000] =	vst v63  }
0xf: {  	_ =	swait.ge [sflag:s9], $0x2000  }
0x10: {  	[sflag:s9] =	ssyncset.done $0x0  }
0x11: {  	[sflag:s9] =	ssyncadd.s32 $0xFFFFE000  }
0x12: {  	[tilespmem:s10], [sflag:$0x1] =	stream.linear.gather [hbm4b:s2+s8], $0x1000, $0x38;
	[tilespmem:$0x5000] =	vst v63  }
0x13: {  	_ =	swait.ge [sflag:s9], $0x1000  }
0x14: {  	[sflag:s9] =	ssyncset.done $0x0  }
0x15: {  	[sflag:s9] =	ssyncadd.s32 $0xFFFFF000  }
0x16: {  	[tilespmem:s11], [sflag:$0x1] =	stream.linear.gather [hbm4b:s5+s8], $0x1000, $0x38;
	[tilespmem:$0x5000] =	vst v63  }
0x17: {  	_ =	swait.ge [sflag:s9], $0x1000  }
0x18: {  	[sflag:s9] =	ssyncset.done $0x0  }
0x19: {  	[sflag:s9] =	ssyncadd.s32 $0xFFFFF000  }
0x1a: {  	[tilespmem:s12], [sflag:$0x1] =	stream.linear.gather [hbm4b:s6+s8], $0x1000, $0x38;
	[tilespmem:$0x5000] =	vst v63  }
0x1b: {  	_ =	swait.ge [sflag:s9], $0x1000  }
0x1c: {  	[sflag:s9] =	ssyncset.done $0x0  }
0x1d: {  	s15 =	simm.s32 $0x0;
	s14 =	simm.s32 $0x40;
	[sflag:s9] =	ssyncadd.s32 $0xFFFFF000  }
.LBB2_3:
0x1e: {  	p0 =	sne.s32 s14, $0x3FC0;
	v0 =	vld [tilespmem:s15+$0x4000];
	_ =	sdelay $0x2  }
0x1f: {  	v1 =	vld [tilespmem:s15+$0x2000];
	_ =	sdelay $0x1  }
0x20: {  	vm0 =	vne.s32 v0, $0x0  }
0x21: {  	v0 =	vld [tilespmem:s15+$0x3000]  }
.Ltmp1:
0x22: {  	(pc) =	sbr.rel @p0 .LBB2_3-.Ltmp1, $2  }
0x23: {  	_ =	sdelay $0x2  }
0x24: {  	s15 =	sshra.s32 s14, $0x2;
	s14 =	sadd.s32 $0x40, s14;
	[tilespmem:v1+s8+$0x0] =	vst.idx.msk vm0, v0  }
0x25: {  	v0 =	vld [tilespmem:s15+$0x4000];
	_ =	sdelay $0x2  }
0x26: {  	v1 =	vld [tilespmem:s15+$0x2000];
	_ =	sdelay $0x1  }
0x27: {  	vm0 =	vne.s32 v0, $0x0  }
0x28: {  	v63 =	vld [tilespmem:s15+$0x3000];
	_ =	sdelay $0x2  }
0x29: {  	s13 =	sadd.s32 $0x1, s13  }
0x2a: {  	p0 =	sne.s32 s13, s7  }
.Ltmp2:
0x2b: {  	[tilespmem:v1+s8+$0x0] =	vst.idx.msk vm0, v63;
	(pc) =	sbr.rel @p0 .LBB2_2-.Ltmp2, $4  }
0x2c: {  	[hbm4b:s4+s8] =	stream.linear.scatter [tilespmem:s8], [sflag:$0x1], $0x2000, $0x38;
	[tilespmem:$0x5000] =	vst v63  }
0x2d: {  	_ =	swait.ge [sflag:s9], $0x2000  }
0x2e: {  	[sflag:s9] =	ssyncset.done $0x0  }
0x2f: {  	[sflag:s9] =	ssyncadd.s32 $0xFFFFE000  }
.LBB2_5:
0x30: {  	_ =	sfence.sel $0x180000  }
0x31: {  	[bflag:$0x0] =	sbarrier.arrive $0xFFFF  }
0x32: {  	p0 =	sne.s32 s1, $0x0;
	_ =	strace $0x9000004D  }
0x33: {  	s0 =	sadd.s32 @!p0 $0x100000, s3;
	[bflag:$0x2] =	sbarrier.arrive $0xFFFF  }
0x34: {  	[sflag:s0] =	ssyncadd.tile.s32 @!p0 $0x1;
	_ =	shalt  }
.Lfunc_end2:
_tile_overlayer_lowered:
.L_overlay_start_2:
0x35: {  	(tag) =	ssettag $0x2  }
0x36: {  	s0 =	rddreg [dreg:$0x0];
	s2 =	stileid.u32  }
0x37: {  	s1 =	rddreg [dreg:$0x1];
	p0 =	sne.s32 s2, $0x0  }
0x38: {  	s3 =	rddreg [dreg:$0x2];
	[bflag:$0x3] =	sbarrier.arrive $0xFFFF;
	s2 =	simm.s32 @!p0 $0x1C01  }
0x39: {  	[timem:s3], [sflag:s2] =	dma.local @!p0 [hbm:s0], s1  }
0x3a: {  	s0 =	simm.s32 @!p0 $0x1  }
0x3b: {  	_ =	swait.ge @!p0 [sflag:s0], s1  }
0x3c: {  	s1 =	ssub.s32 @!p0 $0x0, s1;
	[sflag:s0] =	ssyncset.done @!p0 $0x0  }
0x3d: {  	[sflag:s0] =	ssyncadd.s32 @!p0 s1  }
0x3e: {  	[bflag:$0x3] =	sbarrier.arrive $0xFFFF  }
0x3f: {  	_ =	shalt  }

</sc_bundles>
